<compile_context>
chip_gen: v7x
topology: tpu7x:2x2x1
jax: 0.10.2.dev20260603
libtpu: 0.0.44.dev20260713+nightly
codegen_flags: <defaults>
</compile_context>

<pallas_src>
import functools

import jax
import jax.numpy as jnp
from jax import lax
from jax.experimental import pallas as pl
from jax.experimental.pallas import tpu as pltpu
from jax.experimental.pallas import tpu_sc as plsc

N = 100000
D = 128
NFEAT = 17

_BN = 12800
PARTS = (12800, 51200, 36000)
P_OFF = (0, 12800, 64000)

NC = 2
NS = 16
NW = NC * NS

C = 200
NBUF = 3



def _make_sc_gather(base_row, nrows):
    nchunk = nrows // C
    q, r = divmod(nchunk, NW)
    tmax = q + (1 if r else 0)
    mesh = plsc.VectorSubcoreMesh(core_axis_name="c", subcore_axis_name="s")

    @functools.partial(
        pl.kernel,
        mesh=mesh,
        out_type=jax.ShapeDtypeStruct((nrows, D), jnp.float32),
        scratch_types=[
            pltpu.VMEM((tmax * C,), jnp.int32),
            pltpu.VMEM((C, D), jnp.float32),
            pltpu.VMEM((C, D), jnp.float32),
            pltpu.VMEM((C, D), jnp.float32),
            pltpu.SemaphoreType.DMA,
            pltpu.SemaphoreType.DMA,
            pltpu.SemaphoreType.DMA,
            pltpu.SemaphoreType.DMA,
        ],
    )
    def sc_gather(idx_hbm, table_hbm, out_hbm,
                  idxv, emb0, emb1, emb2,
                  gsem0, gsem1, gsem2, isem):
        wid = lax.axis_index("s") * NC + lax.axis_index("c")
        mycount = q + jnp.where(wid < r, 1, 0) if r else q
        base_chunk = wid * q + jnp.minimum(wid, r)
        row0 = base_row + base_chunk * C
        embs = (emb0, emb1, emb2)
        gsems = (gsem0, gsem1, gsem2)

        if q > 0:
            pltpu.sync_copy(
                idx_hbm.at[pl.ds(row0, q * C)], idxv.at[pl.ds(0, q * C)])
        if r:
            @pl.when(wid < r)
            def _():
                pltpu.async_copy(
                    idx_hbm.at[pl.ds(row0 + q * C, C)],
                    idxv.at[pl.ds(q * C, C)], isem).wait()

        def start(t):
            s = t % NBUF

            @pl.when(t < mycount)
            def _():
                pltpu.async_copy(
                    table_hbm.at[idxv.at[pl.ds(t * C, C)]], embs[s], gsems[s])

        def finish(t):
            s = t % NBUF

            @pl.when(t < mycount)
            def _():
                pltpu.make_async_copy(
                    table_hbm.at[idxv.at[pl.ds(t * C, C)]],
                    embs[s], gsems[s]).wait()
                pltpu.async_copy(
                    embs[s],
                    out_hbm.at[pl.ds((base_chunk + t) * C, C)], gsems[s])

        def drain(t):
            s = t % NBUF

            @pl.when(t < mycount)
            def _():
                pltpu.make_async_copy(
                    embs[s],
                    out_hbm.at[pl.ds((base_chunk + t) * C, C)],
                    gsems[s]).wait()

        for u in range(min(NBUF - 1, tmax)):
            start(u)
        for t in range(tmax):
            if t + NBUF - 1 < tmax:
                if t - 1 >= 0:
                    drain(t - 1)
                start(t + NBUF - 1)
            finish(t)
        for t in range(max(tmax - NBUF, 0), tmax):
            drain(t)

    return sc_gather



def _tc_body_first(xt_ref, g_ref, w_ref, b_ref, o_ref):
    xf = xt_ref[...].astype(jnp.float32)
    mm = lax.dot_general(
        xf, w_ref[...], (((0,), (0,)), ((), ())),
        preferred_element_type=jnp.float32,
    )
    o_ref[...] = mm + b_ref[...] + g_ref[...]


def _tc_body_chain(part_ref, xt_ref, g_ref, w_ref, b_ref, o_ref):
    del part_ref
    _tc_body_first(xt_ref, g_ref, w_ref, b_ref, o_ref)


def _make_tc(part_idx):
    nrows = PARTS[part_idx]
    boff = P_OFF[part_idx] // _BN
    nb = (nrows + _BN - 1) // _BN
    specs = [
        pl.BlockSpec((NFEAT, _BN), lambda i: (0, i + boff)),
        pl.BlockSpec((_BN, D), lambda i: (i, 0)),
        pl.BlockSpec((NFEAT, D), lambda i: (0, 0)),
        pl.BlockSpec((1, D), lambda i: (0, 0)),
    ]
    if part_idx == 0:
        return pl.pallas_call(
            _tc_body_first,
            grid=(nb,),
            in_specs=specs,
            out_specs=pl.BlockSpec((_BN, D), lambda i: (i + boff, 0)),
            out_shape=jax.ShapeDtypeStruct((N, D), jnp.float32),
        )
    return pl.pallas_call(
        _tc_body_chain,
        grid=(nb,),
        in_specs=[pl.BlockSpec(memory_space=pltpu.HBM)] + specs,
        out_specs=pl.BlockSpec((_BN, D), lambda i: (i + boff, 0)),
        out_shape=jax.ShapeDtypeStruct((N, D), jnp.float32),
        input_output_aliases={0: 0},
    )


_tc_calls = tuple(_make_tc(k) for k in range(len(PARTS)))
_sc_calls = tuple(
    _make_sc_gather(P_OFF[k], PARTS[k]) for k in range(len(PARTS)))


def kernel(x, type_embed, W, b):
    xt = x.T
    idx = xt[0]
    Wp = jnp.concatenate([jnp.zeros((1, D), W.dtype), W], axis=0)
    b2 = b.reshape(1, D)
    gs = [sc(idx, type_embed) for sc in _sc_calls]
    out = _tc_calls[0](xt, gs[0], Wp, b2)
    for k in range(1, len(PARTS)):
        out = _tc_calls[k](out, xt, gs[k], Wp, b2)
    return out

# --- scband reference (transcript-rebuilt; emitter-appended) ---
"""Pipeline reference for scband-node-feature-embedder-65532611002927 (READ-ONLY COPY).

The authoritative reference and input builder live on the scoring server;
editing this copy changes nothing except your own understanding.
"""

import jax, jax.numpy as jnp
import numpy as np

N = 100000
NUM_NODE_TYPES = 100000
NUM_NODE_FEATURES = 17
EMBED_DIM = 128


def setup_inputs(seed: int = 0) -> dict:
    key = jax.random.key(seed)
    k1, k2, k3 = jax.random.split(key, 3)
    # forward arg: mixed tensor, column 0 is the node-type id, columns 1: are features
    x = jax.random.randint(k1, (N, NUM_NODE_FEATURES), 0, NUM_NODE_TYPES)
    # learned parameters (mode == 'mixed')
    type_embed = jax.random.normal(k2, (NUM_NODE_TYPES, EMBED_DIM), dtype=jnp.float32)
    feat_in = NUM_NODE_FEATURES - 1
    W = jax.random.normal(k3, (feat_in, EMBED_DIM), dtype=jnp.float32) * (1.0 / np.sqrt(feat_in))
    b = jnp.zeros((EMBED_DIM,), dtype=jnp.float32)
    return {"x": x, "type_embed": type_embed, "W": W, "b": b}


def reference(x, type_embed, W, b):
    # mode == 'mixed' branch of NodeFeatureEmbedder.forward
    x_type = x[:, 0]
    x_feat = x[:, 1:].astype(jnp.float32)
    return jnp.take(type_embed, x_type, axis=0) + x_feat @ W + b

if __name__ == "__main__":
    import jax
    _d = setup_inputs()
    print(jax.jit(kernel)(*tuple(_d.values())))

</pallas_src>

<mosaic_0001>
#map = affine_map<(d0, d1) -> (0)>
#map1 = affine_map<(d0, d1) -> (0, 0)>
module attributes {stable_mosaic.version = 14 : i64} {
  func.func @sc_gather(%arg0: i32, %arg1: i32, %arg2: memref<100000xi32, #tpu.memory_space<hbm>>, %arg3: memref<100000x128xf32, #tpu.memory_space<hbm>>, %arg4: memref<51200x128xf32, #tpu.memory_space<hbm>>, %arg5: memref<1600xi32, #tpu.memory_space<vmem>>, %arg6: memref<200x128xf32, #tpu.memory_space<vmem>>, %arg7: memref<200x128xf32, #tpu.memory_space<vmem>>, %arg8: memref<200x128xf32, #tpu.memory_space<vmem>>, %arg9: memref<!tpu.dma_semaphore, #tpu.memory_space<semaphore_mem>>, %arg10: memref<!tpu.dma_semaphore, #tpu.memory_space<semaphore_mem>>, %arg11: memref<!tpu.dma_semaphore, #tpu.memory_space<semaphore_mem>>, %arg12: memref<!tpu.dma_semaphore, #tpu.memory_space<semaphore_mem>>) attributes {dimension_semantics = [#tpu.dimension_semantics<core_parallel>, #tpu.dimension_semantics<subcore_parallel>], iteration_bounds = array<i64: 2, 16>, scalar_prefetch = 0 : i64, scratch_operands = 8 : i64, tpu.core_type = #tpu.core_type<sc_vector_subcore>, window_params = [{transform_indices = #map}, {transform_indices = #map1}, {transform_indices = #map1}]} {
    %mul3A = arith.constant 2 : i32
    %mul3A_0 = arith.muli %arg1, %mul3A : i32
    %add3A = arith.addi %mul3A_0, %arg0 : i32
    %mul3A_1 = arith.constant 8 : i32
    %mul3A_2 = arith.muli %add3A, %mul3A_1 : i32
    %min3A = arith.constant 0 : i32
    %min3A_3 = arith.minsi %add3A, %min3A : i32
    %add3A_4 = arith.addi %mul3A_2, %min3A_3 : i32
    %mul3A_5 = arith.constant 200 : i32
    %mul3A_6 = arith.muli %add3A_4, %mul3A_5 : i32
    %add3A_7 = arith.constant 12800 : i32
    %add3A_8 = arith.addi %add3A_7, %mul3A_6 : i32
    "tpu.region"() ({
      %run_scoped3A = tpu.sem_alloc : memref<!tpu.dma_semaphore, #tpu.memory_space<semaphore_mem>>
      %dma_start3A_215 = arith.constant 0 : i32
      %dma_start3A_216 = tpu.memref_slice %arg5[%dma_start3A_215] : memref<1600xi32, #tpu.memory_space<vmem>> -> memref<1600xi32, #tpu.memory_space<vmem>>
      %dma_start3A_217 = tpu.memref_slice %arg2[%add3A_8] : memref<100000xi32, #tpu.memory_space<hbm>> -> memref<1600xi32, #tpu.memory_space<hbm>>
      %dma_start3A_218 = arith.constant 0 : i32
      %dma_start3A_219 = tpu.memref_slice %arg5[%dma_start3A_218] : memref<1600xi32, #tpu.memory_space<vmem>> -> memref<1600xi32, #tpu.memory_space<vmem>>
      %dma_start3A_220 = tpu.memref_slice %arg2[%add3A_8] : memref<100000xi32, #tpu.memory_space<hbm>> -> memref<1600xi32, #tpu.memory_space<hbm>>
      tpu.enqueue_dma source(%dma_start3A_220 : memref<1600xi32, #tpu.memory_space<hbm>>) target(%dma_start3A_219 : memref<1600xi32, #tpu.memory_space<vmem>>) target_semaphore(%run_scoped3A : memref<!tpu.dma_semaphore, #tpu.memory_space<semaphore_mem>>)
      %dma_wait3A_221 = arith.constant 0 : i32
      %dma_wait3A_222 = tpu.memref_slice %arg5[%dma_wait3A_221] : memref<1600xi32, #tpu.memory_space<vmem>> -> memref<1600xi32, #tpu.memory_space<vmem>>
      %dma_wait3A_223 = tpu.memref_slice %arg2[%add3A_8] : memref<100000xi32, #tpu.memory_space<hbm>> -> memref<1600xi32, #tpu.memory_space<hbm>>
      %dma_wait3A_224 = arith.constant 0 : i32
      %dma_wait3A_225 = tpu.memref_slice %arg5[%dma_wait3A_224] : memref<1600xi32, #tpu.memory_space<vmem>> -> memref<1600xi32, #tpu.memory_space<vmem>>
      %dma_wait3A_226 = tpu.memref_slice %arg2[%add3A_8] : memref<100000xi32, #tpu.memory_space<hbm>> -> memref<1600xi32, #tpu.memory_space<hbm>>
      tpu.wait_dma2 semaphore(%run_scoped3A : memref<!tpu.dma_semaphore, #tpu.memory_space<semaphore_mem>>) src(%dma_wait3A_226 : memref<1600xi32, #tpu.memory_space<hbm>>) dst(%dma_wait3A_225 : memref<1600xi32, #tpu.memory_space<vmem>>)
      tpu.yield
    }) : () -> ()
    %dma_start3A = arith.constant 0 : i32
    %dma_start3A_9 = tpu.memref_slice %arg5[%dma_start3A] : memref<1600xi32, #tpu.memory_space<vmem>> -> memref<200xi32, #tpu.memory_space<vmem>>
    %dma_start3A_10 = arith.constant 0 : i32
    %dma_start3A_11 = arith.constant 0 : i32
    %dma_start3A_12 = tpu.memref_slice %arg3[%dma_start3A_10, %dma_start3A_11] : memref<100000x128xf32, #tpu.memory_space<hbm>> -> memref<100000x128xf32, #tpu.memory_space<hbm>>
    tpu.enqueue_indirect_dma source(%dma_start3A_12 : memref<100000x128xf32, #tpu.memory_space<hbm>>) target(%arg6 : memref<200x128xf32, #tpu.memory_space<vmem>>) offsets(%dma_start3A_9 : memref<200xi32, #tpu.memory_space<vmem>>) semaphore(%arg9 : memref<!tpu.dma_semaphore, #tpu.memory_space<semaphore_mem>>)
    %dma_start3A_13 = arith.constant 200 : i32
    %dma_start3A_14 = tpu.memref_slice %arg5[%dma_start3A_13] : memref<1600xi32, #tpu.memory_space<vmem>> -> memref<200xi32, #tpu.memory_space<vmem>>
    %dma_start3A_15 = arith.constant 0 : i32
    %dma_start3A_16 = arith.constant 0 : i32
    %dma_start3A_17 = tpu.memref_slice %arg3[%dma_start3A_15, %dma_start3A_16] : memref<100000x128xf32, #tpu.memory_space<hbm>> -> memref<100000x128xf32, #tpu.memory_space<hbm>>
    tpu.enqueue_indirect_dma source(%dma_start3A_17 : memref<100000x128xf32, #tpu.memory_space<hbm>>) target(%arg7 : memref<200x128xf32, #tpu.memory_space<vmem>>) offsets(%dma_start3A_14 : memref<200xi32, #tpu.memory_space<vmem>>) semaphore(%arg10 : memref<!tpu.dma_semaphore, #tpu.memory_space<semaphore_mem>>)
    %dma_start3A_18 = arith.constant 400 : i32
    %dma_start3A_19 = tpu.memref_slice %arg5[%dma_start3A_18] : memref<1600xi32, #tpu.memory_space<vmem>> -> memref<200xi32, #tpu.memory_space<vmem>>
    %dma_start3A_20 = arith.constant 0 : i32
    %dma_start3A_21 = arith.constant 0 : i32
    %dma_start3A_22 = tpu.memref_slice %arg3[%dma_start3A_20, %dma_start3A_21] : memref<100000x128xf32, #tpu.memory_space<hbm>> -> memref<100000x128xf32, #tpu.memory_space<hbm>>
    tpu.enqueue_indirect_dma source(%dma_start3A_22 : memref<100000x128xf32, #tpu.memory_space<hbm>>) target(%arg8 : memref<200x128xf32, #tpu.memory_space<vmem>>) offsets(%dma_start3A_19 : memref<200xi32, #tpu.memory_space<vmem>>) semaphore(%arg11 : memref<!tpu.dma_semaphore, #tpu.memory_space<semaphore_mem>>)
    %dma_wait3A = arith.constant 0 : i32
    %dma_wait3A_23 = tpu.memref_slice %arg5[%dma_wait3A] : memref<1600xi32, #tpu.memory_space<vmem>> -> memref<200xi32, #tpu.memory_space<vmem>>
    %dma_wait3A_24 = arith.constant 0 : i32
    %dma_wait3A_25 = arith.constant 0 : i32
    %dma_wait3A_26 = tpu.memref_slice %arg3[%dma_wait3A_24, %dma_wait3A_25] : memref<100000x128xf32, #tpu.memory_space<hbm>> -> memref<100000x128xf32, #tpu.memory_space<hbm>>
    tpu.wait_indirect_dma semaphore(%arg9 : memref<!tpu.dma_semaphore, #tpu.memory_space<semaphore_mem>>) src(%dma_wait3A_26 : memref<100000x128xf32, #tpu.memory_space<hbm>>) dst(%arg6 : memref<200x128xf32, #tpu.memory_space<vmem>>)
    %add3A_27 = arith.constant 0 : i32
    %add3A_28 = arith.addi %add3A_4, %add3A_27 : i32
    %mul3A_29 = arith.constant 200 : i32
    %mul3A_30 = arith.muli %add3A_28, %mul3A_29 : i32
    %dma_start3A_31 = arith.constant 0 : i32
    %dma_start3A_32 = tpu.memref_slice %arg4[%mul3A_30, %dma_start3A_31] : memref<51200x128xf32, #tpu.memory_space<hbm>> -> memref<200x128xf32, #tpu.memory_space<hbm>>
    %dma_start3A_33 = arith.constant 0 : i32
    %dma_start3A_34 = tpu.memref_slice %arg4[%mul3A_30, %dma_start3A_33] : memref<51200x128xf32, #tpu.memory_space<hbm>> -> memref<200x128xf32, #tpu.memory_space<hbm>>
    tpu.enqueue_dma source(%arg6 : memref<200x128xf32, #tpu.memory_space<vmem>>) target(%dma_start3A_34 : memref<200x128xf32, #tpu.memory_space<hbm>>) target_semaphore(%arg9 : memref<!tpu.dma_semaphore, #tpu.memory_space<semaphore_mem>>)
    %add3A_35 = arith.constant 0 : i32
    %add3A_36 = arith.addi %add3A_4, %add3A_35 : i32
    %mul3A_37 = arith.constant 200 : i32
    %mul3A_38 = arith.muli %add3A_36, %mul3A_37 : i32
    %dma_wait3A_39 = arith.constant 0 : i32
    %dma_wait3A_40 = tpu.memref_slice %arg4[%mul3A_38, %dma_wait3A_39] : memref<51200x128xf32, #tpu.memory_space<hbm>> -> memref<200x128xf32, #tpu.memory_space<hbm>>
    %dma_wait3A_41 = arith.constant 0 : i32
    %dma_wait3A_42 = tpu.memref_slice %arg4[%mul3A_38, %dma_wait3A_41] : memref<51200x128xf32, #tpu.memory_space<hbm>> -> memref<200x128xf32, #tpu.memory_space<hbm>>
    tpu.wait_dma2 semaphore(%arg9 : memref<!tpu.dma_semaphore, #tpu.memory_space<semaphore_mem>>) src(%arg6 : memref<200x128xf32, #tpu.memory_space<vmem>>) dst(%dma_wait3A_42 : memref<200x128xf32, #tpu.memory_space<hbm>>)
    %dma_start3A_43 = arith.constant 600 : i32
    %dma_start3A_44 = tpu.memref_slice %arg5[%dma_start3A_43] : memref<1600xi32, #tpu.memory_space<vmem>> -> memref<200xi32, #tpu.memory_space<vmem>>
    %dma_start3A_45 = arith.constant 0 : i32
    %dma_start3A_46 = arith.constant 0 : i32
    %dma_start3A_47 = tpu.memref_slice %arg3[%dma_start3A_45, %dma_start3A_46] : memref<100000x128xf32, #tpu.memory_space<hbm>> -> memref<100000x128xf32, #tpu.memory_space<hbm>>
    tpu.enqueue_indirect_dma source(%dma_start3A_47 : memref<100000x128xf32, #tpu.memory_space<hbm>>) target(%arg6 : memref<200x128xf32, #tpu.memory_space<vmem>>) offsets(%dma_start3A_44 : memref<200xi32, #tpu.memory_space<vmem>>) semaphore(%arg9 : memref<!tpu.dma_semaphore, #tpu.memory_space<semaphore_mem>>)
    %dma_wait3A_48 = arith.constant 200 : i32
    %dma_wait3A_49 = tpu.memref_slice %arg5[%dma_wait3A_48] : memref<1600xi32, #tpu.memory_space<vmem>> -> memref<200xi32, #tpu.memory_space<vmem>>
    %dma_wait3A_50 = arith.constant 0 : i32
    %dma_wait3A_51 = arith.constant 0 : i32
    %dma_wait3A_52 = tpu.memref_slice %arg3[%dma_wait3A_50, %dma_wait3A_51] : memref<100000x128xf32, #tpu.memory_space<hbm>> -> memref<100000x128xf32, #tpu.memory_space<hbm>>
    tpu.wait_indirect_dma semaphore(%arg10 : memref<!tpu.dma_semaphore, #tpu.memory_space<semaphore_mem>>) src(%dma_wait3A_52 : memref<100000x128xf32, #tpu.memory_space<hbm>>) dst(%arg7 : memref<200x128xf32, #tpu.memory_space<vmem>>)
    %add3A_53 = arith.constant 1 : i32
    %add3A_54 = arith.addi %add3A_4, %add3A_53 : i32
    %mul3A_55 = arith.constant 200 : i32
    %mul3A_56 = arith.muli %add3A_54, %mul3A_55 : i32
    %dma_start3A_57 = arith.constant 0 : i32
    %dma_start3A_58 = tpu.memref_slice %arg4[%mul3A_56, %dma_start3A_57] : memref<51200x128xf32, #tpu.memory_space<hbm>> -> memref<200x128xf32, #tpu.memory_space<hbm>>
    %dma_start3A_59 = arith.constant 0 : i32
    %dma_start3A_60 = tpu.memref_slice %arg4[%mul3A_56, %dma_start3A_59] : memref<51200x128xf32, #tpu.memory_space<hbm>> -> memref<200x128xf32, #tpu.memory_space<hbm>>
    tpu.enqueue_dma source(%arg7 : memref<200x128xf32, #tpu.memory_space<vmem>>) target(%dma_start3A_60 : memref<200x128xf32, #tpu.memory_space<hbm>>) target_semaphore(%arg10 : memref<!tpu.dma_semaphore, #tpu.memory_space<semaphore_mem>>)
    %add3A_61 = arith.constant 1 : i32
    %add3A_62 = arith.addi %add3A_4, %add3A_61 : i32
    %mul3A_63 = arith.constant 200 : i32
    %mul3A_64 = arith.muli %add3A_62, %mul3A_63 : i32
    %dma_wait3A_65 = arith.constant 0 : i32
    %dma_wait3A_66 = tpu.memref_slice %arg4[%mul3A_64, %dma_wait3A_65] : memref<51200x128xf32, #tpu.memory_space<hbm>> -> memref<200x128xf32, #tpu.memory_space<hbm>>
    %dma_wait3A_67 = arith.constant 0 : i32
    %dma_wait3A_68 = tpu.memref_slice %arg4[%mul3A_64, %dma_wait3A_67] : memref<51200x128xf32, #tpu.memory_space<hbm>> -> memref<200x128xf32, #tpu.memory_space<hbm>>
    tpu.wait_dma2 semaphore(%arg10 : memref<!tpu.dma_semaphore, #tpu.memory_space<semaphore_mem>>) src(%arg7 : memref<200x128xf32, #tpu.memory_space<vmem>>) dst(%dma_wait3A_68 : memref<200x128xf32, #tpu.memory_space<hbm>>)
    %dma_start3A_69 = arith.constant 800 : i32
    %dma_start3A_70 = tpu.memref_slice %arg5[%dma_start3A_69] : memref<1600xi32, #tpu.memory_space<vmem>> -> memref<200xi32, #tpu.memory_space<vmem>>
    %dma_start3A_71 = arith.constant 0 : i32
    %dma_start3A_72 = arith.constant 0 : i32
    %dma_start3A_73 = tpu.memref_slice %arg3[%dma_start3A_71, %dma_start3A_72] : memref<100000x128xf32, #tpu.memory_space<hbm>> -> memref<100000x128xf32, #tpu.memory_space<hbm>>
    tpu.enqueue_indirect_dma source(%dma_start3A_73 : memref<100000x128xf32, #tpu.memory_space<hbm>>) target(%arg7 : memref<200x128xf32, #tpu.memory_space<vmem>>) offsets(%dma_start3A_70 : memref<200xi32, #tpu.memory_space<vmem>>) semaphore(%arg10 : memref<!tpu.dma_semaphore, #tpu.memory_space<semaphore_mem>>)
    %dma_wait3A_74 = arith.constant 400 : i32
    %dma_wait3A_75 = tpu.memref_slice %arg5[%dma_wait3A_74] : memref<1600xi32, #tpu.memory_space<vmem>> -> memref<200xi32, #tpu.memory_space<vmem>>
    %dma_wait3A_76 = arith.constant 0 : i32
    %dma_wait3A_77 = arith.constant 0 : i32
    %dma_wait3A_78 = tpu.memref_slice %arg3[%dma_wait3A_76, %dma_wait3A_77] : memref<100000x128xf32, #tpu.memory_space<hbm>> -> memref<100000x128xf32, #tpu.memory_space<hbm>>
    tpu.wait_indirect_dma semaphore(%arg11 : memref<!tpu.dma_semaphore, #tpu.memory_space<semaphore_mem>>) src(%dma_wait3A_78 : memref<100000x128xf32, #tpu.memory_space<hbm>>) dst(%arg8 : memref<200x128xf32, #tpu.memory_space<vmem>>)
    %add3A_79 = arith.constant 2 : i32
    %add3A_80 = arith.addi %add3A_4, %add3A_79 : i32
    %mul3A_81 = arith.constant 200 : i32
    %mul3A_82 = arith.muli %add3A_80, %mul3A_81 : i32
    %dma_start3A_83 = arith.constant 0 : i32
    %dma_start3A_84 = tpu.memref_slice %arg4[%mul3A_82, %dma_start3A_83] : memref<51200x128xf32, #tpu.memory_space<hbm>> -> memref<200x128xf32, #tpu.memory_space<hbm>>
    %dma_start3A_85 = arith.constant 0 : i32
    %dma_start3A_86 = tpu.memref_slice %arg4[%mul3A_82, %dma_start3A_85] : memref<51200x128xf32, #tpu.memory_space<hbm>> -> memref<200x128xf32, #tpu.memory_space<hbm>>
    tpu.enqueue_dma source(%arg8 : memref<200x128xf32, #tpu.memory_space<vmem>>) target(%dma_start3A_86 : memref<200x128xf32, #tpu.memory_space<hbm>>) target_semaphore(%arg11 : memref<!tpu.dma_semaphore, #tpu.memory_space<semaphore_mem>>)
    %add3A_87 = arith.constant 2 : i32
    %add3A_88 = arith.addi %add3A_4, %add3A_87 : i32
    %mul3A_89 = arith.constant 200 : i32
    %mul3A_90 = arith.muli %add3A_88, %mul3A_89 : i32
    %dma_wait3A_91 = arith.constant 0 : i32
    %dma_wait3A_92 = tpu.memref_slice %arg4[%mul3A_90, %dma_wait3A_91] : memref<51200x128xf32, #tpu.memory_space<hbm>> -> memref<200x128xf32, #tpu.memory_space<hbm>>
    %dma_wait3A_93 = arith.constant 0 : i32
    %dma_wait3A_94 = tpu.memref_slice %arg4[%mul3A_90, %dma_wait3A_93] : memref<51200x128xf32, #tpu.memory_space<hbm>> -> memref<200x128xf32, #tpu.memory_space<hbm>>
    tpu.wait_dma2 semaphore(%arg11 : memref<!tpu.dma_semaphore, #tpu.memory_space<semaphore_mem>>) src(%arg8 : memref<200x128xf32, #tpu.memory_space<vmem>>) dst(%dma_wait3A_94 : memref<200x128xf32, #tpu.memory_space<hbm>>)
    %dma_start3A_95 = arith.constant 1000 : i32
    %dma_start3A_96 = tpu.memref_slice %arg5[%dma_start3A_95] : memref<1600xi32, #tpu.memory_space<vmem>> -> memref<200xi32, #tpu.memory_space<vmem>>
    %dma_start3A_97 = arith.constant 0 : i32
    %dma_start3A_98 = arith.constant 0 : i32
    %dma_start3A_99 = tpu.memref_slice %arg3[%dma_start3A_97, %dma_start3A_98] : memref<100000x128xf32, #tpu.memory_space<hbm>> -> memref<100000x128xf32, #tpu.memory_space<hbm>>
    tpu.enqueue_indirect_dma source(%dma_start3A_99 : memref<100000x128xf32, #tpu.memory_space<hbm>>) target(%arg8 : memref<200x128xf32, #tpu.memory_space<vmem>>) offsets(%dma_start3A_96 : memref<200xi32, #tpu.memory_space<vmem>>) semaphore(%arg11 : memref<!tpu.dma_semaphore, #tpu.memory_space<semaphore_mem>>)
    %dma_wait3A_100 = arith.constant 600 : i32
    %dma_wait3A_101 = tpu.memref_slice %arg5[%dma_wait3A_100] : memref<1600xi32, #tpu.memory_space<vmem>> -> memref<200xi32, #tpu.memory_space<vmem>>
    %dma_wait3A_102 = arith.constant 0 : i32
    %dma_wait3A_103 = arith.constant 0 : i32
    %dma_wait3A_104 = tpu.memref_slice %arg3[%dma_wait3A_102, %dma_wait3A_103] : memref<100000x128xf32, #tpu.memory_space<hbm>> -> memref<100000x128xf32, #tpu.memory_space<hbm>>
    tpu.wait_indirect_dma semaphore(%arg9 : memref<!tpu.dma_semaphore, #tpu.memory_space<semaphore_mem>>) src(%dma_wait3A_104 : memref<100000x128xf32, #tpu.memory_space<hbm>>) dst(%arg6 : memref<200x128xf32, #tpu.memory_space<vmem>>)
    %add3A_105 = arith.constant 3 : i32
    %add3A_106 = arith.addi %add3A_4, %add3A_105 : i32
    %mul3A_107 = arith.constant 200 : i32
    %mul3A_108 = arith.muli %add3A_106, %mul3A_107 : i32
    %dma_start3A_109 = arith.constant 0 : i32
    %dma_start3A_110 = tpu.memref_slice %arg4[%mul3A_108, %dma_start3A_109] : memref<51200x128xf32, #tpu.memory_space<hbm>> -> memref<200x128xf32, #tpu.memory_space<hbm>>
    %dma_start3A_111 = arith.constant 0 : i32
    %dma_start3A_112 = tpu.memref_slice %arg4[%mul3A_108, %dma_start3A_111] : memref<51200x128xf32, #tpu.memory_space<hbm>> -> memref<200x128xf32, #tpu.memory_space<hbm>>
    tpu.enqueue_dma source(%arg6 : memref<200x128xf32, #tpu.memory_space<vmem>>) target(%dma_start3A_112 : memref<200x128xf32, #tpu.memory_space<hbm>>) target_semaphore(%arg9 : memref<!tpu.dma_semaphore, #tpu.memory_space<semaphore_mem>>)
    %add3A_113 = arith.constant 3 : i32
    %add3A_114 = arith.addi %add3A_4, %add3A_113 : i32
    %mul3A_115 = arith.constant 200 : i32
    %mul3A_116 = arith.muli %add3A_114, %mul3A_115 : i32
    %dma_wait3A_117 = arith.constant 0 : i32
    %dma_wait3A_118 = tpu.memref_slice %arg4[%mul3A_116, %dma_wait3A_117] : memref<51200x128xf32, #tpu.memory_space<hbm>> -> memref<200x128xf32, #tpu.memory_space<hbm>>
    %dma_wait3A_119 = arith.constant 0 : i32
    %dma_wait3A_120 = tpu.memref_slice %arg4[%mul3A_116, %dma_wait3A_119] : memref<51200x128xf32, #tpu.memory_space<hbm>> -> memref<200x128xf32, #tpu.memory_space<hbm>>
    tpu.wait_dma2 semaphore(%arg9 : memref<!tpu.dma_semaphore, #tpu.memory_space<semaphore_mem>>) src(%arg6 : memref<200x128xf32, #tpu.memory_space<vmem>>) dst(%dma_wait3A_120 : memref<200x128xf32, #tpu.memory_space<hbm>>)
    %dma_start3A_121 = arith.constant 1200 : i32
    %dma_start3A_122 = tpu.memref_slice %arg5[%dma_start3A_121] : memref<1600xi32, #tpu.memory_space<vmem>> -> memref<200xi32, #tpu.memory_space<vmem>>
    %dma_start3A_123 = arith.constant 0 : i32
    %dma_start3A_124 = arith.constant 0 : i32
    %dma_start3A_125 = tpu.memref_slice %arg3[%dma_start3A_123, %dma_start3A_124] : memref<100000x128xf32, #tpu.memory_space<hbm>> -> memref<100000x128xf32, #tpu.memory_space<hbm>>
    tpu.enqueue_indirect_dma source(%dma_start3A_125 : memref<100000x128xf32, #tpu.memory_space<hbm>>) target(%arg6 : memref<200x128xf32, #tpu.memory_space<vmem>>) offsets(%dma_start3A_122 : memref<200xi32, #tpu.memory_space<vmem>>) semaphore(%arg9 : memref<!tpu.dma_semaphore, #tpu.memory_space<semaphore_mem>>)
    %dma_wait3A_126 = arith.constant 800 : i32
    %dma_wait3A_127 = tpu.memref_slice %arg5[%dma_wait3A_126] : memref<1600xi32, #tpu.memory_space<vmem>> -> memref<200xi32, #tpu.memory_space<vmem>>
    %dma_wait3A_128 = arith.constant 0 : i32
    %dma_wait3A_129 = arith.constant 0 : i32
    %dma_wait3A_130 = tpu.memref_slice %arg3[%dma_wait3A_128, %dma_wait3A_129] : memref<100000x128xf32, #tpu.memory_space<hbm>> -> memref<100000x128xf32, #tpu.memory_space<hbm>>
    tpu.wait_indirect_dma semaphore(%arg10 : memref<!tpu.dma_semaphore, #tpu.memory_space<semaphore_mem>>) src(%dma_wait3A_130 : memref<100000x128xf32, #tpu.memory_space<hbm>>) dst(%arg7 : memref<200x128xf32, #tpu.memory_space<vmem>>)
    %add3A_131 = arith.constant 4 : i32
    %add3A_132 = arith.addi %add3A_4, %add3A_131 : i32
    %mul3A_133 = arith.constant 200 : i32
    %mul3A_134 = arith.muli %add3A_132, %mul3A_133 : i32
    %dma_start3A_135 = arith.constant 0 : i32
    %dma_start3A_136 = tpu.memref_slice %arg4[%mul3A_134, %dma_start3A_135] : memref<51200x128xf32, #tpu.memory_space<hbm>> -> memref<200x128xf32, #tpu.memory_space<hbm>>
    %dma_start3A_137 = arith.constant 0 : i32
    %dma_start3A_138 = tpu.memref_slice %arg4[%mul3A_134, %dma_start3A_137] : memref<51200x128xf32, #tpu.memory_space<hbm>> -> memref<200x128xf32, #tpu.memory_space<hbm>>
    tpu.enqueue_dma source(%arg7 : memref<200x128xf32, #tpu.memory_space<vmem>>) target(%dma_start3A_138 : memref<200x128xf32, #tpu.memory_space<hbm>>) target_semaphore(%arg10 : memref<!tpu.dma_semaphore, #tpu.memory_space<semaphore_mem>>)
    %add3A_139 = arith.constant 4 : i32
    %add3A_140 = arith.addi %add3A_4, %add3A_139 : i32
    %mul3A_141 = arith.constant 200 : i32
    %mul3A_142 = arith.muli %add3A_140, %mul3A_141 : i32
    %dma_wait3A_143 = arith.constant 0 : i32
    %dma_wait3A_144 = tpu.memref_slice %arg4[%mul3A_142, %dma_wait3A_143] : memref<51200x128xf32, #tpu.memory_space<hbm>> -> memref<200x128xf32, #tpu.memory_space<hbm>>
    %dma_wait3A_145 = arith.constant 0 : i32
    %dma_wait3A_146 = tpu.memref_slice %arg4[%mul3A_142, %dma_wait3A_145] : memref<51200x128xf32, #tpu.memory_space<hbm>> -> memref<200x128xf32, #tpu.memory_space<hbm>>
    tpu.wait_dma2 semaphore(%arg10 : memref<!tpu.dma_semaphore, #tpu.memory_space<semaphore_mem>>) src(%arg7 : memref<200x128xf32, #tpu.memory_space<vmem>>) dst(%dma_wait3A_146 : memref<200x128xf32, #tpu.memory_space<hbm>>)
    %dma_start3A_147 = arith.constant 1400 : i32
    %dma_start3A_148 = tpu.memref_slice %arg5[%dma_start3A_147] : memref<1600xi32, #tpu.memory_space<vmem>> -> memref<200xi32, #tpu.memory_space<vmem>>
    %dma_start3A_149 = arith.constant 0 : i32
    %dma_start3A_150 = arith.constant 0 : i32
    %dma_start3A_151 = tpu.memref_slice %arg3[%dma_start3A_149, %dma_start3A_150] : memref<100000x128xf32, #tpu.memory_space<hbm>> -> memref<100000x128xf32, #tpu.memory_space<hbm>>
    tpu.enqueue_indirect_dma source(%dma_start3A_151 : memref<100000x128xf32, #tpu.memory_space<hbm>>) target(%arg7 : memref<200x128xf32, #tpu.memory_space<vmem>>) offsets(%dma_start3A_148 : memref<200xi32, #tpu.memory_space<vmem>>) semaphore(%arg10 : memref<!tpu.dma_semaphore, #tpu.memory_space<semaphore_mem>>)
    %dma_wait3A_152 = arith.constant 1000 : i32
    %dma_wait3A_153 = tpu.memref_slice %arg5[%dma_wait3A_152] : memref<1600xi32, #tpu.memory_space<vmem>> -> memref<200xi32, #tpu.memory_space<vmem>>
    %dma_wait3A_154 = arith.constant 0 : i32
    %dma_wait3A_155 = arith.constant 0 : i32
    %dma_wait3A_156 = tpu.memref_slice %arg3[%dma_wait3A_154, %dma_wait3A_155] : memref<100000x128xf32, #tpu.memory_space<hbm>> -> memref<100000x128xf32, #tpu.memory_space<hbm>>
    tpu.wait_indirect_dma semaphore(%arg11 : memref<!tpu.dma_semaphore, #tpu.memory_space<semaphore_mem>>) src(%dma_wait3A_156 : memref<100000x128xf32, #tpu.memory_space<hbm>>) dst(%arg8 : memref<200x128xf32, #tpu.memory_space<vmem>>)
    %add3A_157 = arith.constant 5 : i32
    %add3A_158 = arith.addi %add3A_4, %add3A_157 : i32
    %mul3A_159 = arith.constant 200 : i32
    %mul3A_160 = arith.muli %add3A_158, %mul3A_159 : i32
    %dma_start3A_161 = arith.constant 0 : i32
    %dma_start3A_162 = tpu.memref_slice %arg4[%mul3A_160, %dma_start3A_161] : memref<51200x128xf32, #tpu.memory_space<hbm>> -> memref<200x128xf32, #tpu.memory_space<hbm>>
    %dma_start3A_163 = arith.constant 0 : i32
    %dma_start3A_164 = tpu.memref_slice %arg4[%mul3A_160, %dma_start3A_163] : memref<51200x128xf32, #tpu.memory_space<hbm>> -> memref<200x128xf32, #tpu.memory_space<hbm>>
    tpu.enqueue_dma source(%arg8 : memref<200x128xf32, #tpu.memory_space<vmem>>) target(%dma_start3A_164 : memref<200x128xf32, #tpu.memory_space<hbm>>) target_semaphore(%arg11 : memref<!tpu.dma_semaphore, #tpu.memory_space<semaphore_mem>>)
    %dma_wait3A_165 = arith.constant 1200 : i32
    %dma_wait3A_166 = tpu.memref_slice %arg5[%dma_wait3A_165] : memref<1600xi32, #tpu.memory_space<vmem>> -> memref<200xi32, #tpu.memory_space<vmem>>
    %dma_wait3A_167 = arith.constant 0 : i32
    %dma_wait3A_168 = arith.constant 0 : i32
    %dma_wait3A_169 = tpu.memref_slice %arg3[%dma_wait3A_167, %dma_wait3A_168] : memref<100000x128xf32, #tpu.memory_space<hbm>> -> memref<100000x128xf32, #tpu.memory_space<hbm>>
    tpu.wait_indirect_dma semaphore(%arg9 : memref<!tpu.dma_semaphore, #tpu.memory_space<semaphore_mem>>) src(%dma_wait3A_169 : memref<100000x128xf32, #tpu.memory_space<hbm>>) dst(%arg6 : memref<200x128xf32, #tpu.memory_space<vmem>>)
    %add3A_170 = arith.constant 6 : i32
    %add3A_171 = arith.addi %add3A_4, %add3A_170 : i32
    %mul3A_172 = arith.constant 200 : i32
    %mul3A_173 = arith.muli %add3A_171, %mul3A_172 : i32
    %dma_start3A_174 = arith.constant 0 : i32
    %dma_start3A_175 = tpu.memref_slice %arg4[%mul3A_173, %dma_start3A_174] : memref<51200x128xf32, #tpu.memory_space<hbm>> -> memref<200x128xf32, #tpu.memory_space<hbm>>
    %dma_start3A_176 = arith.constant 0 : i32
    %dma_start3A_177 = tpu.memref_slice %arg4[%mul3A_173, %dma_start3A_176] : memref<51200x128xf32, #tpu.memory_space<hbm>> -> memref<200x128xf32, #tpu.memory_space<hbm>>
    tpu.enqueue_dma source(%arg6 : memref<200x128xf32, #tpu.memory_space<vmem>>) target(%dma_start3A_177 : memref<200x128xf32, #tpu.memory_space<hbm>>) target_semaphore(%arg9 : memref<!tpu.dma_semaphore, #tpu.memory_space<semaphore_mem>>)
    %dma_wait3A_178 = arith.constant 1400 : i32
    %dma_wait3A_179 = tpu.memref_slice %arg5[%dma_wait3A_178] : memref<1600xi32, #tpu.memory_space<vmem>> -> memref<200xi32, #tpu.memory_space<vmem>>
    %dma_wait3A_180 = arith.constant 0 : i32
    %dma_wait3A_181 = arith.constant 0 : i32
    %dma_wait3A_182 = tpu.memref_slice %arg3[%dma_wait3A_180, %dma_wait3A_181] : memref<100000x128xf32, #tpu.memory_space<hbm>> -> memref<100000x128xf32, #tpu.memory_space<hbm>>
    tpu.wait_indirect_dma semaphore(%arg10 : memref<!tpu.dma_semaphore, #tpu.memory_space<semaphore_mem>>) src(%dma_wait3A_182 : memref<100000x128xf32, #tpu.memory_space<hbm>>) dst(%arg7 : memref<200x128xf32, #tpu.memory_space<vmem>>)
    %add3A_183 = arith.constant 7 : i32
    %add3A_184 = arith.addi %add3A_4, %add3A_183 : i32
    %mul3A_185 = arith.constant 200 : i32
    %mul3A_186 = arith.muli %add3A_184, %mul3A_185 : i32
    %dma_start3A_187 = arith.constant 0 : i32
    %dma_start3A_188 = tpu.memref_slice %arg4[%mul3A_186, %dma_start3A_187] : memref<51200x128xf32, #tpu.memory_space<hbm>> -> memref<200x128xf32, #tpu.memory_space<hbm>>
    %dma_start3A_189 = arith.constant 0 : i32
    %dma_start3A_190 = tpu.memref_slice %arg4[%mul3A_186, %dma_start3A_189] : memref<51200x128xf32, #tpu.memory_space<hbm>> -> memref<200x128xf32, #tpu.memory_space<hbm>>
    tpu.enqueue_dma source(%arg7 : memref<200x128xf32, #tpu.memory_space<vmem>>) target(%dma_start3A_190 : memref<200x128xf32, #tpu.memory_space<hbm>>) target_semaphore(%arg10 : memref<!tpu.dma_semaphore, #tpu.memory_space<semaphore_mem>>)
    %add3A_191 = arith.constant 5 : i32
    %add3A_192 = arith.addi %add3A_4, %add3A_191 : i32
    %mul3A_193 = arith.constant 200 : i32
    %mul3A_194 = arith.muli %add3A_192, %mul3A_193 : i32
    %dma_wait3A_195 = arith.constant 0 : i32
    %dma_wait3A_196 = tpu.memref_slice %arg4[%mul3A_194, %dma_wait3A_195] : memref<51200x128xf32, #tpu.memory_space<hbm>> -> memref<200x128xf32, #tpu.memory_space<hbm>>
    %dma_wait3A_197 = arith.constant 0 : i32
    %dma_wait3A_198 = tpu.memref_slice %arg4[%mul3A_194, %dma_wait3A_197] : memref<51200x128xf32, #tpu.memory_space<hbm>> -> memref<200x128xf32, #tpu.memory_space<hbm>>
    tpu.wait_dma2 semaphore(%arg11 : memref<!tpu.dma_semaphore, #tpu.memory_space<semaphore_mem>>) src(%arg8 : memref<200x128xf32, #tpu.memory_space<vmem>>) dst(%dma_wait3A_198 : memref<200x128xf32, #tpu.memory_space<hbm>>)
    %add3A_199 = arith.constant 6 : i32
    %add3A_200 = arith.addi %add3A_4, %add3A_199 : i32
    %mul3A_201 = arith.constant 200 : i32
    %mul3A_202 = arith.muli %add3A_200, %mul3A_201 : i32
    %dma_wait3A_203 = arith.constant 0 : i32
    %dma_wait3A_204 = tpu.memref_slice %arg4[%mul3A_202, %dma_wait3A_203] : memref<51200x128xf32, #tpu.memory_space<hbm>> -> memref<200x128xf32, #tpu.memory_space<hbm>>
    %dma_wait3A_205 = arith.constant 0 : i32
    %dma_wait3A_206 = tpu.memref_slice %arg4[%mul3A_202, %dma_wait3A_205] : memref<51200x128xf32, #tpu.memory_space<hbm>> -> memref<200x128xf32, #tpu.memory_space<hbm>>
    tpu.wait_dma2 semaphore(%arg9 : memref<!tpu.dma_semaphore, #tpu.memory_space<semaphore_mem>>) src(%arg6 : memref<200x128xf32, #tpu.memory_space<vmem>>) dst(%dma_wait3A_206 : memref<200x128xf32, #tpu.memory_space<hbm>>)
    %add3A_207 = arith.constant 7 : i32
    %add3A_208 = arith.addi %add3A_4, %add3A_207 : i32
    %mul3A_209 = arith.constant 200 : i32
    %mul3A_210 = arith.muli %add3A_208, %mul3A_209 : i32
    %dma_wait3A_211 = arith.constant 0 : i32
    %dma_wait3A_212 = tpu.memref_slice %arg4[%mul3A_210, %dma_wait3A_211] : memref<51200x128xf32, #tpu.memory_space<hbm>> -> memref<200x128xf32, #tpu.memory_space<hbm>>
    %dma_wait3A_213 = arith.constant 0 : i32
    %dma_wait3A_214 = tpu.memref_slice %arg4[%mul3A_210, %dma_wait3A_213] : memref<51200x128xf32, #tpu.memory_space<hbm>> -> memref<200x128xf32, #tpu.memory_space<hbm>>
    tpu.wait_dma2 semaphore(%arg10 : memref<!tpu.dma_semaphore, #tpu.memory_space<semaphore_mem>>) src(%arg7 : memref<200x128xf32, #tpu.memory_space<vmem>>) dst(%dma_wait3A_214 : memref<200x128xf32, #tpu.memory_space<hbm>>)
    return
  }
}

#map = affine_map<(d0, d1) -> (0)>
#map1 = affine_map<(d0, d1) -> (0, 0)>
module attributes {stable_mosaic.version = 14 : i64} {
  func.func @sc_gather(%arg0: i32, %arg1: i32, %arg2: memref<100000xi32, #tpu.memory_space<hbm>>, %arg3: memref<100000x128xf32, #tpu.memory_space<hbm>>, %arg4: memref<12800x128xf32, #tpu.memory_space<hbm>>, %arg5: memref<400xi32, #tpu.memory_space<vmem>>, %arg6: memref<200x128xf32, #tpu.memory_space<vmem>>, %arg7: memref<200x128xf32, #tpu.memory_space<vmem>>, %arg8: memref<200x128xf32, #tpu.memory_space<vmem>>, %arg9: memref<!tpu.dma_semaphore, #tpu.memory_space<semaphore_mem>>, %arg10: memref<!tpu.dma_semaphore, #tpu.memory_space<semaphore_mem>>, %arg11: memref<!tpu.dma_semaphore, #tpu.memory_space<semaphore_mem>>, %arg12: memref<!tpu.dma_semaphore, #tpu.memory_space<semaphore_mem>>) attributes {dimension_semantics = [#tpu.dimension_semantics<core_parallel>, #tpu.dimension_semantics<subcore_parallel>], iteration_bounds = array<i64: 2, 16>, scalar_prefetch = 0 : i64, scratch_operands = 8 : i64, tpu.core_type = #tpu.core_type<sc_vector_subcore>, window_params = [{transform_indices = #map}, {transform_indices = #map1}, {transform_indices = #map1}]} {
    %mul3A = arith.constant 2 : i32
    %mul3A_0 = arith.muli %arg1, %mul3A : i32
    %add3A = arith.addi %mul3A_0, %arg0 : i32
    %mul3A_1 = arith.constant 2 : i32
    %mul3A_2 = arith.muli %add3A, %mul3A_1 : i32
    %min3A = arith.constant 0 : i32
    %min3A_3 = arith.minsi %add3A, %min3A : i32
    %add3A_4 = arith.addi %mul3A_2, %min3A_3 : i32
    %mul3A_5 = arith.constant 200 : i32
    %mul3A_6 = arith.muli %add3A_4, %mul3A_5 : i32
    %add3A_7 = arith.constant 0 : i32
    %add3A_8 = arith.addi %add3A_7, %mul3A_6 : i32
    "tpu.region"() ({
      %run_scoped3A = tpu.sem_alloc : memref<!tpu.dma_semaphore, #tpu.memory_space<semaphore_mem>>
      %dma_start3A_59 = arith.constant 0 : i32
      %dma_start3A_60 = tpu.memref_slice %arg5[%dma_start3A_59] : memref<400xi32, #tpu.memory_space<vmem>> -> memref<400xi32, #tpu.memory_space<vmem>>
      %dma_start3A_61 = tpu.memref_slice %arg2[%add3A_8] : memref<100000xi32, #tpu.memory_space<hbm>> -> memref<400xi32, #tpu.memory_space<hbm>>
      %dma_start3A_62 = arith.constant 0 : i32
      %dma_start3A_63 = tpu.memref_slice %arg5[%dma_start3A_62] : memref<400xi32, #tpu.memory_space<vmem>> -> memref<400xi32, #tpu.memory_space<vmem>>
      %dma_start3A_64 = tpu.memref_slice %arg2[%add3A_8] : memref<100000xi32, #tpu.memory_space<hbm>> -> memref<400xi32, #tpu.memory_space<hbm>>
      tpu.enqueue_dma source(%dma_start3A_64 : memref<400xi32, #tpu.memory_space<hbm>>) target(%dma_start3A_63 : memref<400xi32, #tpu.memory_space<vmem>>) target_semaphore(%run_scoped3A : memref<!tpu.dma_semaphore, #tpu.memory_space<semaphore_mem>>)
      %dma_wait3A_65 = arith.constant 0 : i32
      %dma_wait3A_66 = tpu.memref_slice %arg5[%dma_wait3A_65] : memref<400xi32, #tpu.memory_space<vmem>> -> memref<400xi32, #tpu.memory_space<vmem>>
      %dma_wait3A_67 = tpu.memref_slice %arg2[%add3A_8] : memref<100000xi32, #tpu.memory_space<hbm>> -> memref<400xi32, #tpu.memory_space<hbm>>
      %dma_wait3A_68 = arith.constant 0 : i32
      %dma_wait3A_69 = tpu.memref_slice %arg5[%dma_wait3A_68] : memref<400xi32, #tpu.memory_space<vmem>> -> memref<400xi32, #tpu.memory_space<vmem>>
      %dma_wait3A_70 = tpu.memref_slice %arg2[%add3A_8] : memref<100000xi32, #tpu.memory_space<hbm>> -> memref<400xi32, #tpu.memory_space<hbm>>
      tpu.wait_dma2 semaphore(%run_scoped3A : memref<!tpu.dma_semaphore, #tpu.memory_space<semaphore_mem>>) src(%dma_wait3A_70 : memref<400xi32, #tpu.memory_space<hbm>>) dst(%dma_wait3A_69 : memref<400xi32, #tpu.memory_space<vmem>>)
      tpu.yield
    }) : () -> ()
    %dma_start3A = arith.constant 0 : i32
    %dma_start3A_9 = tpu.memref_slice %arg5[%dma_start3A] : memref<400xi32, #tpu.memory_space<vmem>> -> memref<200xi32, #tpu.memory_space<vmem>>
    %dma_start3A_10 = arith.constant 0 : i32
    %dma_start3A_11 = arith.constant 0 : i32
    %dma_start3A_12 = tpu.memref_slice %arg3[%dma_start3A_10, %dma_start3A_11] : memref<100000x128xf32, #tpu.memory_space<hbm>> -> memref<100000x128xf32, #tpu.memory_space<hbm>>
    tpu.enqueue_indirect_dma source(%dma_start3A_12 : memref<100000x128xf32, #tpu.memory_space<hbm>>) target(%arg6 : memref<200x128xf32, #tpu.memory_space<vmem>>) offsets(%dma_start3A_9 : memref<200xi32, #tpu.memory_space<vmem>>) semaphore(%arg9 : memref<!tpu.dma_semaphore, #tpu.memory_space<semaphore_mem>>)
    %dma_start3A_13 = arith.constant 200 : i32
    %dma_start3A_14 = tpu.memref_slice %arg5[%dma_start3A_13] : memref<400xi32, #tpu.memory_space<vmem>> -> memref<200xi32, #tpu.memory_space<vmem>>
    %dma_start3A_15 = arith.constant 0 : i32
    %dma_start3A_16 = arith.constant 0 : i32
    %dma_start3A_17 = tpu.memref_slice %arg3[%dma_start3A_15, %dma_start3A_16] : memref<100000x128xf32, #tpu.memory_space<hbm>> -> memref<100000x128xf32, #tpu.memory_space<hbm>>
    tpu.enqueue_indirect_dma source(%dma_start3A_17 : memref<100000x128xf32, #tpu.memory_space<hbm>>) target(%arg7 : memref<200x128xf32, #tpu.memory_space<vmem>>) offsets(%dma_start3A_14 : memref<200xi32, #tpu.memory_space<vmem>>) semaphore(%arg10 : memref<!tpu.dma_semaphore, #tpu.memory_space<semaphore_mem>>)
    %dma_wait3A = arith.constant 0 : i32
    %dma_wait3A_18 = tpu.memref_slice %arg5[%dma_wait3A] : memref<400xi32, #tpu.memory_space<vmem>> -> memref<200xi32, #tpu.memory_space<vmem>>
    %dma_wait3A_19 = arith.constant 0 : i32
    %dma_wait3A_20 = arith.constant 0 : i32
    %dma_wait3A_21 = tpu.memref_slice %arg3[%dma_wait3A_19, %dma_wait3A_20] : memref<100000x128xf32, #tpu.memory_space<hbm>> -> memref<100000x128xf32, #tpu.memory_space<hbm>>
    tpu.wait_indirect_dma semaphore(%arg9 : memref<!tpu.dma_semaphore, #tpu.memory_space<semaphore_mem>>) src(%dma_wait3A_21 : memref<100000x128xf32, #tpu.memory_space<hbm>>) dst(%arg6 : memref<200x128xf32, #tpu.memory_space<vmem>>)
    %add3A_22 = arith.constant 0 : i32
    %add3A_23 = arith.addi %add3A_4, %add3A_22 : i32
    %mul3A_24 = arith.constant 200 : i32
    %mul3A_25 = arith.muli %add3A_23, %mul3A_24 : i32
    %dma_start3A_26 = arith.constant 0 : i32
    %dma_start3A_27 = tpu.memref_slice %arg4[%mul3A_25, %dma_start3A_26] : memref<12800x128xf32, #tpu.memory_space<hbm>> -> memref<200x128xf32, #tpu.memory_space<hbm>>
    %dma_start3A_28 = arith.constant 0 : i32
    %dma_start3A_29 = tpu.memref_slice %arg4[%mul3A_25, %dma_start3A_28] : memref<12800x128xf32, #tpu.memory_space<hbm>> -> memref<200x128xf32, #tpu.memory_space<hbm>>
    tpu.enqueue_dma source(%arg6 : memref<200x128xf32, #tpu.memory_space<vmem>>) target(%dma_start3A_29 : memref<200x128xf32, #tpu.memory_space<hbm>>) target_semaphore(%arg9 : memref<!tpu.dma_semaphore, #tpu.memory_space<semaphore_mem>>)
    %dma_wait3A_30 = arith.constant 200 : i32
    %dma_wait3A_31 = tpu.memref_slice %arg5[%dma_wait3A_30] : memref<400xi32, #tpu.memory_space<vmem>> -> memref<200xi32, #tpu.memory_space<vmem>>
    %dma_wait3A_32 = arith.constant 0 : i32
    %dma_wait3A_33 = arith.constant 0 : i32
    %dma_wait3A_34 = tpu.memref_slice %arg3[%dma_wait3A_32, %dma_wait3A_33] : memref<100000x128xf32, #tpu.memory_space<hbm>> -> memref<100000x128xf32, #tpu.memory_space<hbm>>
    tpu.wait_indirect_dma semaphore(%arg10 : memref<!tpu.dma_semaphore, #tpu.memory_space<semaphore_mem>>) src(%dma_wait3A_34 : memref<100000x128xf32, #tpu.memory_space<hbm>>) dst(%arg7 : memref<200x128xf32, #tpu.memory_space<vmem>>)
    %add3A_35 = arith.constant 1 : i32
    %add3A_36 = arith.addi %add3A_4, %add3A_35 : i32
    %mul3A_37 = arith.constant 200 : i32
    %mul3A_38 = arith.muli %add3A_36, %mul3A_37 : i32
    %dma_start3A_39 = arith.constant 0 : i32
    %dma_start3A_40 = tpu.memref_slice %arg4[%mul3A_38, %dma_start3A_39] : memref<12800x128xf32, #tpu.memory_space<hbm>> -> memref<200x128xf32, #tpu.memory_space<hbm>>
    %dma_start3A_41 = arith.constant 0 : i32
    %dma_start3A_42 = tpu.memref_slice %arg4[%mul3A_38, %dma_start3A_41] : memref<12800x128xf32, #tpu.memory_space<hbm>> -> memref<200x128xf32, #tpu.memory_space<hbm>>
    tpu.enqueue_dma source(%arg7 : memref<200x128xf32, #tpu.memory_space<vmem>>) target(%dma_start3A_42 : memref<200x128xf32, #tpu.memory_space<hbm>>) target_semaphore(%arg10 : memref<!tpu.dma_semaphore, #tpu.memory_space<semaphore_mem>>)
    %add3A_43 = arith.constant 0 : i32
    %add3A_44 = arith.addi %add3A_4, %add3A_43 : i32
    %mul3A_45 = arith.constant 200 : i32
    %mul3A_46 = arith.muli %add3A_44, %mul3A_45 : i32
    %dma_wait3A_47 = arith.constant 0 : i32
    %dma_wait3A_48 = tpu.memref_slice %arg4[%mul3A_46, %dma_wait3A_47] : memref<12800x128xf32, #tpu.memory_space<hbm>> -> memref<200x128xf32, #tpu.memory_space<hbm>>
    %dma_wait3A_49 = arith.constant 0 : i32
    %dma_wait3A_50 = tpu.memref_slice %arg4[%mul3A_46, %dma_wait3A_49] : memref<12800x128xf32, #tpu.memory_space<hbm>> -> memref<200x128xf32, #tpu.memory_space<hbm>>
    tpu.wait_dma2 semaphore(%arg9 : memref<!tpu.dma_semaphore, #tpu.memory_space<semaphore_mem>>) src(%arg6 : memref<200x128xf32, #tpu.memory_space<vmem>>) dst(%dma_wait3A_50 : memref<200x128xf32, #tpu.memory_space<hbm>>)
    %add3A_51 = arith.constant 1 : i32
    %add3A_52 = arith.addi %add3A_4, %add3A_51 : i32
    %mul3A_53 = arith.constant 200 : i32
    %mul3A_54 = arith.muli %add3A_52, %mul3A_53 : i32
    %dma_wait3A_55 = arith.constant 0 : i32
    %dma_wait3A_56 = tpu.memref_slice %arg4[%mul3A_54, %dma_wait3A_55] : memref<12800x128xf32, #tpu.memory_space<hbm>> -> memref<200x128xf32, #tpu.memory_space<hbm>>
    %dma_wait3A_57 = arith.constant 0 : i32
    %dma_wait3A_58 = tpu.memref_slice %arg4[%mul3A_54, %dma_wait3A_57] : memref<12800x128xf32, #tpu.memory_space<hbm>> -> memref<200x128xf32, #tpu.memory_space<hbm>>
    tpu.wait_dma2 semaphore(%arg10 : memref<!tpu.dma_semaphore, #tpu.memory_space<semaphore_mem>>) src(%arg7 : memref<200x128xf32, #tpu.memory_space<vmem>>) dst(%dma_wait3A_58 : memref<200x128xf32, #tpu.memory_space<hbm>>)
    return
  }
}

#map = affine_map<(d0, d1) -> (0)>
#map1 = affine_map<(d0, d1) -> (0, 0)>
module attributes {stable_mosaic.version = 14 : i64} {
  func.func @sc_gather(%arg0: i32, %arg1: i32, %arg2: memref<100000xi32, #tpu.memory_space<hbm>>, %arg3: memref<100000x128xf32, #tpu.memory_space<hbm>>, %arg4: memref<36000x128xf32, #tpu.memory_space<hbm>>, %arg5: memref<1200xi32, #tpu.memory_space<vmem>>, %arg6: memref<200x128xf32, #tpu.memory_space<vmem>>, %arg7: memref<200x128xf32, #tpu.memory_space<vmem>>, %arg8: memref<200x128xf32, #tpu.memory_space<vmem>>, %arg9: memref<!tpu.dma_semaphore, #tpu.memory_space<semaphore_mem>>, %arg10: memref<!tpu.dma_semaphore, #tpu.memory_space<semaphore_mem>>, %arg11: memref<!tpu.dma_semaphore, #tpu.memory_space<semaphore_mem>>, %arg12: memref<!tpu.dma_semaphore, #tpu.memory_space<semaphore_mem>>) attributes {dimension_semantics = [#tpu.dimension_semantics<core_parallel>, #tpu.dimension_semantics<subcore_parallel>], iteration_bounds = array<i64: 2, 16>, scalar_prefetch = 0 : i64, scratch_operands = 8 : i64, tpu.core_type = #tpu.core_type<sc_vector_subcore>, window_params = [{transform_indices = #map}, {transform_indices = #map1}, {transform_indices = #map1}]} {
    %mul3A = arith.constant 2 : i32
    %mul3A_0 = arith.muli %arg1, %mul3A : i32
    %add3A = arith.addi %mul3A_0, %arg0 : i32
    %lt3A = arith.constant 20 : i32
    %lt3A_1 = arith.cmpi slt, %add3A, %lt3A : i32
    %jit3A = arith.constant 1 : i32
    %jit3A_2 = arith.constant 0 : i32
    %select_n3A = arith.select %lt3A_1, %jit3A, %jit3A_2 : i32
    %add3A_3 = arith.constant 5 : i32
    %add3A_4 = arith.addi %add3A_3, %select_n3A : i32
    %mul3A_5 = arith.constant 5 : i32
    %mul3A_6 = arith.muli %add3A, %mul3A_5 : i32
    %min3A = arith.constant 20 : i32
    %min3A_7 = arith.minsi %add3A, %min3A : i32
    %add3A_8 = arith.addi %mul3A_6, %min3A_7 : i32
    %mul3A_9 = arith.constant 200 : i32
    %mul3A_10 = arith.muli %add3A_8, %mul3A_9 : i32
    %add3A_11 = arith.constant 64000 : i32
    %add3A_12 = arith.addi %add3A_11, %mul3A_10 : i32
    "tpu.region"() ({
      %run_scoped3A = tpu.sem_alloc : memref<!tpu.dma_semaphore, #tpu.memory_space<semaphore_mem>>
      %dma_start3A = arith.constant 0 : i32
      %dma_start3A_105 = tpu.memref_slice %arg5[%dma_start3A] : memref<1200xi32, #tpu.memory_space<vmem>> -> memref<1000xi32, #tpu.memory_space<vmem>>
      %dma_start3A_106 = tpu.memref_slice %arg2[%add3A_12] : memref<100000xi32, #tpu.memory_space<hbm>> -> memref<1000xi32, #tpu.memory_space<hbm>>
      %dma_start3A_107 = arith.constant 0 : i32
      %dma_start3A_108 = tpu.memref_slice %arg5[%dma_start3A_107] : memref<1200xi32, #tpu.memory_space<vmem>> -> memref<1000xi32, #tpu.memory_space<vmem>>
      %dma_start3A_109 = tpu.memref_slice %arg2[%add3A_12] : memref<100000xi32, #tpu.memory_space<hbm>> -> memref<1000xi32, #tpu.memory_space<hbm>>
      tpu.enqueue_dma source(%dma_start3A_109 : memref<1000xi32, #tpu.memory_space<hbm>>) target(%dma_start3A_108 : memref<1000xi32, #tpu.memory_space<vmem>>) target_semaphore(%run_scoped3A : memref<!tpu.dma_semaphore, #tpu.memory_space<semaphore_mem>>)
      %dma_wait3A = arith.constant 0 : i32
      %dma_wait3A_110 = tpu.memref_slice %arg5[%dma_wait3A] : memref<1200xi32, #tpu.memory_space<vmem>> -> memref<1000xi32, #tpu.memory_space<vmem>>
      %dma_wait3A_111 = tpu.memref_slice %arg2[%add3A_12] : memref<100000xi32, #tpu.memory_space<hbm>> -> memref<1000xi32, #tpu.memory_space<hbm>>
      %dma_wait3A_112 = arith.constant 0 : i32
      %dma_wait3A_113 = tpu.memref_slice %arg5[%dma_wait3A_112] : memref<1200xi32, #tpu.memory_space<vmem>> -> memref<1000xi32, #tpu.memory_space<vmem>>
      %dma_wait3A_114 = tpu.memref_slice %arg2[%add3A_12] : memref<100000xi32, #tpu.memory_space<hbm>> -> memref<1000xi32, #tpu.memory_space<hbm>>
      tpu.wait_dma2 semaphore(%run_scoped3A : memref<!tpu.dma_semaphore, #tpu.memory_space<semaphore_mem>>) src(%dma_wait3A_114 : memref<1000xi32, #tpu.memory_space<hbm>>) dst(%dma_wait3A_113 : memref<1000xi32, #tpu.memory_space<vmem>>)
      tpu.yield
    }) : () -> ()
    %lt3A_13 = arith.constant 20 : i32
    %lt3A_14 = arith.cmpi slt, %add3A, %lt3A_13 : i32
    %convert_element_type3A = arith.extui %lt3A_14 : i1 to i32
    %cond3A = arith.constant 0 : i32
    %cond3A_15 = arith.cmpi ne, %convert_element_type3A, %cond3A : i32
    scf.if %cond3A_15 {
      %add3A_105 = arith.constant 1000 : i32
      %add3A_106 = arith.addi %add3A_12, %add3A_105 : i32
      %dma_start3A = arith.constant 1000 : i32
      %dma_start3A_107 = tpu.memref_slice %arg5[%dma_start3A] : memref<1200xi32, #tpu.memory_space<vmem>> -> memref<200xi32, #tpu.memory_space<vmem>>
      %dma_start3A_108 = tpu.memref_slice %arg2[%add3A_106] : memref<100000xi32, #tpu.memory_space<hbm>> -> memref<200xi32, #tpu.memory_space<hbm>>
      %dma_start3A_109 = arith.constant 1000 : i32
      %dma_start3A_110 = tpu.memref_slice %arg5[%dma_start3A_109] : memref<1200xi32, #tpu.memory_space<vmem>> -> memref<200xi32, #tpu.memory_space<vmem>>
      %dma_start3A_111 = tpu.memref_slice %arg2[%add3A_106] : memref<100000xi32, #tpu.memory_space<hbm>> -> memref<200xi32, #tpu.memory_space<hbm>>
      tpu.enqueue_dma source(%dma_start3A_111 : memref<200xi32, #tpu.memory_space<hbm>>) target(%dma_start3A_110 : memref<200xi32, #tpu.memory_space<vmem>>) target_semaphore(%arg12 : memref<!tpu.dma_semaphore, #tpu.memory_space<semaphore_mem>>)
      %dma_wait3A = arith.constant 1000 : i32
      %dma_wait3A_112 = tpu.memref_slice %arg5[%dma_wait3A] : memref<1200xi32, #tpu.memory_space<vmem>> -> memref<200xi32, #tpu.memory_space<vmem>>
      %dma_wait3A_113 = tpu.memref_slice %arg2[%add3A_106] : memref<100000xi32, #tpu.memory_space<hbm>> -> memref<200xi32, #tpu.memory_space<hbm>>
      %dma_wait3A_114 = arith.constant 1000 : i32
      %dma_wait3A_115 = tpu.memref_slice %arg5[%dma_wait3A_114] : memref<1200xi32, #tpu.memory_space<vmem>> -> memref<200xi32, #tpu.memory_space<vmem>>
      %dma_wait3A_116 = tpu.memref_slice %arg2[%add3A_106] : memref<100000xi32, #tpu.memory_space<hbm>> -> memref<200xi32, #tpu.memory_space<hbm>>
      tpu.wait_dma2 semaphore(%arg12 : memref<!tpu.dma_semaphore, #tpu.memory_space<semaphore_mem>>) src(%dma_wait3A_116 : memref<200xi32, #tpu.memory_space<hbm>>) dst(%dma_wait3A_115 : memref<200xi32, #tpu.memory_space<vmem>>)
    } else {
    }
    %gt3A = arith.constant 0 : i32
    %gt3A_16 = arith.cmpi sgt, %add3A_4, %gt3A : i32
    %convert_element_type3A_17 = arith.extui %gt3A_16 : i1 to i32
    %cond3A_18 = arith.constant 0 : i32
    %cond3A_19 = arith.cmpi ne, %convert_element_type3A_17, %cond3A_18 : i32
    scf.if %cond3A_19 {
      %dma_start3A = arith.constant 0 : i32
      %dma_start3A_105 = tpu.memref_slice %arg5[%dma_start3A] : memref<1200xi32, #tpu.memory_space<vmem>> -> memref<200xi32, #tpu.memory_space<vmem>>
      %dma_start3A_106 = arith.constant 0 : i32
      %dma_start3A_107 = arith.constant 0 : i32
      %dma_start3A_108 = tpu.memref_slice %arg3[%dma_start3A_106, %dma_start3A_107] : memref<100000x128xf32, #tpu.memory_space<hbm>> -> memref<100000x128xf32, #tpu.memory_space<hbm>>
      tpu.enqueue_indirect_dma source(%dma_start3A_108 : memref<100000x128xf32, #tpu.memory_space<hbm>>) target(%arg6 : memref<200x128xf32, #tpu.memory_space<vmem>>) offsets(%dma_start3A_105 : memref<200xi32, #tpu.memory_space<vmem>>) semaphore(%arg9 : memref<!tpu.dma_semaphore, #tpu.memory_space<semaphore_mem>>)
    } else {
    }
    %gt3A_20 = arith.constant 1 : i32
    %gt3A_21 = arith.cmpi sgt, %add3A_4, %gt3A_20 : i32
    %convert_element_type3A_22 = arith.extui %gt3A_21 : i1 to i32
    %cond3A_23 = arith.constant 0 : i32
    %cond3A_24 = arith.cmpi ne, %convert_element_type3A_22, %cond3A_23 : i32
    scf.if %cond3A_24 {
      %dma_start3A = arith.constant 200 : i32
      %dma_start3A_105 = tpu.memref_slice %arg5[%dma_start3A] : memref<1200xi32, #tpu.memory_space<vmem>> -> memref<200xi32, #tpu.memory_space<vmem>>
      %dma_start3A_106 = arith.constant 0 : i32
      %dma_start3A_107 = arith.constant 0 : i32
      %dma_start3A_108 = tpu.memref_slice %arg3[%dma_start3A_106, %dma_start3A_107] : memref<100000x128xf32, #tpu.memory_space<hbm>> -> memref<100000x128xf32, #tpu.memory_space<hbm>>
      tpu.enqueue_indirect_dma source(%dma_start3A_108 : memref<100000x128xf32, #tpu.memory_space<hbm>>) target(%arg7 : memref<200x128xf32, #tpu.memory_space<vmem>>) offsets(%dma_start3A_105 : memref<200xi32, #tpu.memory_space<vmem>>) semaphore(%arg10 : memref<!tpu.dma_semaphore, #tpu.memory_space<semaphore_mem>>)
    } else {
    }
    %gt3A_25 = arith.constant 2 : i32
    %gt3A_26 = arith.cmpi sgt, %add3A_4, %gt3A_25 : i32
    %convert_element_type3A_27 = arith.extui %gt3A_26 : i1 to i32
    %cond3A_28 = arith.constant 0 : i32
    %cond3A_29 = arith.cmpi ne, %convert_element_type3A_27, %cond3A_28 : i32
    scf.if %cond3A_29 {
      %dma_start3A = arith.constant 400 : i32
      %dma_start3A_105 = tpu.memref_slice %arg5[%dma_start3A] : memref<1200xi32, #tpu.memory_space<vmem>> -> memref<200xi32, #tpu.memory_space<vmem>>
      %dma_start3A_106 = arith.constant 0 : i32
      %dma_start3A_107 = arith.constant 0 : i32
      %dma_start3A_108 = tpu.memref_slice %arg3[%dma_start3A_106, %dma_start3A_107] : memref<100000x128xf32, #tpu.memory_space<hbm>> -> memref<100000x128xf32, #tpu.memory_space<hbm>>
      tpu.enqueue_indirect_dma source(%dma_start3A_108 : memref<100000x128xf32, #tpu.memory_space<hbm>>) target(%arg8 : memref<200x128xf32, #tpu.memory_space<vmem>>) offsets(%dma_start3A_105 : memref<200xi32, #tpu.memory_space<vmem>>) semaphore(%arg11 : memref<!tpu.dma_semaphore, #tpu.memory_space<semaphore_mem>>)
    } else {
    }
    %gt3A_30 = arith.constant 0 : i32
    %gt3A_31 = arith.cmpi sgt, %add3A_4, %gt3A_30 : i32
    %convert_element_type3A_32 = arith.extui %gt3A_31 : i1 to i32
    %cond3A_33 = arith.constant 0 : i32
    %cond3A_34 = arith.cmpi ne, %convert_element_type3A_32, %cond3A_33 : i32
    scf.if %cond3A_34 {
      %dma_wait3A = arith.constant 0 : i32
      %dma_wait3A_105 = tpu.memref_slice %arg5[%dma_wait3A] : memref<1200xi32, #tpu.memory_space<vmem>> -> memref<200xi32, #tpu.memory_space<vmem>>
      %dma_wait3A_106 = arith.constant 0 : i32
      %dma_wait3A_107 = arith.constant 0 : i32
      %dma_wait3A_108 = tpu.memref_slice %arg3[%dma_wait3A_106, %dma_wait3A_107] : memref<100000x128xf32, #tpu.memory_space<hbm>> -> memref<100000x128xf32, #tpu.memory_space<hbm>>
      tpu.wait_indirect_dma semaphore(%arg9 : memref<!tpu.dma_semaphore, #tpu.memory_space<semaphore_mem>>) src(%dma_wait3A_108 : memref<100000x128xf32, #tpu.memory_space<hbm>>) dst(%arg6 : memref<200x128xf32, #tpu.memory_space<vmem>>)
      %add3A_109 = arith.constant 0 : i32
      %add3A_110 = arith.addi %add3A_8, %add3A_109 : i32
      %mul3A_111 = arith.constant 200 : i32
      %mul3A_112 = arith.muli %add3A_110, %mul3A_111 : i32
      %dma_start3A = arith.constant 0 : i32
      %dma_start3A_113 = tpu.memref_slice %arg4[%mul3A_112, %dma_start3A] : memref<36000x128xf32, #tpu.memory_space<hbm>> -> memref<200x128xf32, #tpu.memory_space<hbm>>
      %dma_start3A_114 = arith.constant 0 : i32
      %dma_start3A_115 = tpu.memref_slice %arg4[%mul3A_112, %dma_start3A_114] : memref<36000x128xf32, #tpu.memory_space<hbm>> -> memref<200x128xf32, #tpu.memory_space<hbm>>
      tpu.enqueue_dma source(%arg6 : memref<200x128xf32, #tpu.memory_space<vmem>>) target(%dma_start3A_115 : memref<200x128xf32, #tpu.memory_space<hbm>>) target_semaphore(%arg9 : memref<!tpu.dma_semaphore, #tpu.memory_space<semaphore_mem>>)
    } else {
    }
    %gt3A_35 = arith.constant 0 : i32
    %gt3A_36 = arith.cmpi sgt, %add3A_4, %gt3A_35 : i32
    %convert_element_type3A_37 = arith.extui %gt3A_36 : i1 to i32
    %cond3A_38 = arith.constant 0 : i32
    %cond3A_39 = arith.cmpi ne, %convert_element_type3A_37, %cond3A_38 : i32
    scf.if %cond3A_39 {
      %add3A_105 = arith.constant 0 : i32
      %add3A_106 = arith.addi %add3A_8, %add3A_105 : i32
      %mul3A_107 = arith.constant 200 : i32
      %mul3A_108 = arith.muli %add3A_106, %mul3A_107 : i32
      %dma_wait3A = arith.constant 0 : i32
      %dma_wait3A_109 = tpu.memref_slice %arg4[%mul3A_108, %dma_wait3A] : memref<36000x128xf32, #tpu.memory_space<hbm>> -> memref<200x128xf32, #tpu.memory_space<hbm>>
      %dma_wait3A_110 = arith.constant 0 : i32
      %dma_wait3A_111 = tpu.memref_slice %arg4[%mul3A_108, %dma_wait3A_110] : memref<36000x128xf32, #tpu.memory_space<hbm>> -> memref<200x128xf32, #tpu.memory_space<hbm>>
      tpu.wait_dma2 semaphore(%arg9 : memref<!tpu.dma_semaphore, #tpu.memory_space<semaphore_mem>>) src(%arg6 : memref<200x128xf32, #tpu.memory_space<vmem>>) dst(%dma_wait3A_111 : memref<200x128xf32, #tpu.memory_space<hbm>>)
    } else {
    }
    %gt3A_40 = arith.constant 3 : i32
    %gt3A_41 = arith.cmpi sgt, %add3A_4, %gt3A_40 : i32
    %convert_element_type3A_42 = arith.extui %gt3A_41 : i1 to i32
    %cond3A_43 = arith.constant 0 : i32
    %cond3A_44 = arith.cmpi ne, %convert_element_type3A_42, %cond3A_43 : i32
    scf.if %cond3A_44 {
      %dma_start3A = arith.constant 600 : i32
      %dma_start3A_105 = tpu.memref_slice %arg5[%dma_start3A] : memref<1200xi32, #tpu.memory_space<vmem>> -> memref<200xi32, #tpu.memory_space<vmem>>
      %dma_start3A_106 = arith.constant 0 : i32
      %dma_start3A_107 = arith.constant 0 : i32
      %dma_start3A_108 = tpu.memref_slice %arg3[%dma_start3A_106, %dma_start3A_107] : memref<100000x128xf32, #tpu.memory_space<hbm>> -> memref<100000x128xf32, #tpu.memory_space<hbm>>
      tpu.enqueue_indirect_dma source(%dma_start3A_108 : memref<100000x128xf32, #tpu.memory_space<hbm>>) target(%arg6 : memref<200x128xf32, #tpu.memory_space<vmem>>) offsets(%dma_start3A_105 : memref<200xi32, #tpu.memory_space<vmem>>) semaphore(%arg9 : memref<!tpu.dma_semaphore, #tpu.memory_space<semaphore_mem>>)
    } else {
    }
    %gt3A_45 = arith.constant 1 : i32
    %gt3A_46 = arith.cmpi sgt, %add3A_4, %gt3A_45 : i32
    %convert_element_type3A_47 = arith.extui %gt3A_46 : i1 to i32
    %cond3A_48 = arith.constant 0 : i32
    %cond3A_49 = arith.cmpi ne, %convert_element_type3A_47, %cond3A_48 : i32
    scf.if %cond3A_49 {
      %dma_wait3A = arith.constant 200 : i32
      %dma_wait3A_105 = tpu.memref_slice %arg5[%dma_wait3A] : memref<1200xi32, #tpu.memory_space<vmem>> -> memref<200xi32, #tpu.memory_space<vmem>>
      %dma_wait3A_106 = arith.constant 0 : i32
      %dma_wait3A_107 = arith.constant 0 : i32
      %dma_wait3A_108 = tpu.memref_slice %arg3[%dma_wait3A_106, %dma_wait3A_107] : memref<100000x128xf32, #tpu.memory_space<hbm>> -> memref<100000x128xf32, #tpu.memory_space<hbm>>
      tpu.wait_indirect_dma semaphore(%arg10 : memref<!tpu.dma_semaphore, #tpu.memory_space<semaphore_mem>>) src(%dma_wait3A_108 : memref<100000x128xf32, #tpu.memory_space<hbm>>) dst(%arg7 : memref<200x128xf32, #tpu.memory_space<vmem>>)
      %add3A_109 = arith.constant 1 : i32
      %add3A_110 = arith.addi %add3A_8, %add3A_109 : i32
      %mul3A_111 = arith.constant 200 : i32
      %mul3A_112 = arith.muli %add3A_110, %mul3A_111 : i32
      %dma_start3A = arith.constant 0 : i32
      %dma_start3A_113 = tpu.memref_slice %arg4[%mul3A_112, %dma_start3A] : memref<36000x128xf32, #tpu.memory_space<hbm>> -> memref<200x128xf32, #tpu.memory_space<hbm>>
      %dma_start3A_114 = arith.constant 0 : i32
      %dma_start3A_115 = tpu.memref_slice %arg4[%mul3A_112, %dma_start3A_114] : memref<36000x128xf32, #tpu.memory_space<hbm>> -> memref<200x128xf32, #tpu.memory_space<hbm>>
      tpu.enqueue_dma source(%arg7 : memref<200x128xf32, #tpu.memory_space<vmem>>) target(%dma_start3A_115 : memref<200x128xf32, #tpu.memory_space<hbm>>) target_semaphore(%arg10 : memref<!tpu.dma_semaphore, #tpu.memory_space<semaphore_mem>>)
    } else {
    }
    %gt3A_50 = arith.constant 1 : i32
    %gt3A_51 = arith.cmpi sgt, %add3A_4, %gt3A_50 : i32
    %convert_element_type3A_52 = arith.extui %gt3A_51 : i1 to i32
    %cond3A_53 = arith.constant 0 : i32
    %cond3A_54 = arith.cmpi ne, %convert_element_type3A_52, %cond3A_53 : i32
    scf.if %cond3A_54 {
      %add3A_105 = arith.constant 1 : i32
      %add3A_106 = arith.addi %add3A_8, %add3A_105 : i32
      %mul3A_107 = arith.constant 200 : i32
      %mul3A_108 = arith.muli %add3A_106, %mul3A_107 : i32
      %dma_wait3A = arith.constant 0 : i32
      %dma_wait3A_109 = tpu.memref_slice %arg4[%mul3A_108, %dma_wait3A] : memref<36000x128xf32, #tpu.memory_space<hbm>> -> memref<200x128xf32, #tpu.memory_space<hbm>>
      %dma_wait3A_110 = arith.constant 0 : i32
      %dma_wait3A_111 = tpu.memref_slice %arg4[%mul3A_108, %dma_wait3A_110] : memref<36000x128xf32, #tpu.memory_space<hbm>> -> memref<200x128xf32, #tpu.memory_space<hbm>>
      tpu.wait_dma2 semaphore(%arg10 : memref<!tpu.dma_semaphore, #tpu.memory_space<semaphore_mem>>) src(%arg7 : memref<200x128xf32, #tpu.memory_space<vmem>>) dst(%dma_wait3A_111 : memref<200x128xf32, #tpu.memory_space<hbm>>)
    } else {
    }
    %gt3A_55 = arith.constant 4 : i32
    %gt3A_56 = arith.cmpi sgt, %add3A_4, %gt3A_55 : i32
    %convert_element_type3A_57 = arith.extui %gt3A_56 : i1 to i32
    %cond3A_58 = arith.constant 0 : i32
    %cond3A_59 = arith.cmpi ne, %convert_element_type3A_57, %cond3A_58 : i32
    scf.if %cond3A_59 {
      %dma_start3A = arith.constant 800 : i32
      %dma_start3A_105 = tpu.memref_slice %arg5[%dma_start3A] : memref<1200xi32, #tpu.memory_space<vmem>> -> memref<200xi32, #tpu.memory_space<vmem>>
      %dma_start3A_106 = arith.constant 0 : i32
      %dma_start3A_107 = arith.constant 0 : i32
      %dma_start3A_108 = tpu.memref_slice %arg3[%dma_start3A_106, %dma_start3A_107] : memref<100000x128xf32, #tpu.memory_space<hbm>> -> memref<100000x128xf32, #tpu.memory_space<hbm>>
      tpu.enqueue_indirect_dma source(%dma_start3A_108 : memref<100000x128xf32, #tpu.memory_space<hbm>>) target(%arg7 : memref<200x128xf32, #tpu.memory_space<vmem>>) offsets(%dma_start3A_105 : memref<200xi32, #tpu.memory_space<vmem>>) semaphore(%arg10 : memref<!tpu.dma_semaphore, #tpu.memory_space<semaphore_mem>>)
    } else {
    }
    %gt3A_60 = arith.constant 2 : i32
    %gt3A_61 = arith.cmpi sgt, %add3A_4, %gt3A_60 : i32
    %convert_element_type3A_62 = arith.extui %gt3A_61 : i1 to i32
    %cond3A_63 = arith.constant 0 : i32
    %cond3A_64 = arith.cmpi ne, %convert_element_type3A_62, %cond3A_63 : i32
    scf.if %cond3A_64 {
      %dma_wait3A = arith.constant 400 : i32
      %dma_wait3A_105 = tpu.memref_slice %arg5[%dma_wait3A] : memref<1200xi32, #tpu.memory_space<vmem>> -> memref<200xi32, #tpu.memory_space<vmem>>
      %dma_wait3A_106 = arith.constant 0 : i32
      %dma_wait3A_107 = arith.constant 0 : i32
      %dma_wait3A_108 = tpu.memref_slice %arg3[%dma_wait3A_106, %dma_wait3A_107] : memref<100000x128xf32, #tpu.memory_space<hbm>> -> memref<100000x128xf32, #tpu.memory_space<hbm>>
      tpu.wait_indirect_dma semaphore(%arg11 : memref<!tpu.dma_semaphore, #tpu.memory_space<semaphore_mem>>) src(%dma_wait3A_108 : memref<100000x128xf32, #tpu.memory_space<hbm>>) dst(%arg8 : memref<200x128xf32, #tpu.memory_space<vmem>>)
      %add3A_109 = arith.constant 2 : i32
      %add3A_110 = arith.addi %add3A_8, %add3A_109 : i32
      %mul3A_111 = arith.constant 200 : i32
      %mul3A_112 = arith.muli %add3A_110, %mul3A_111 : i32
      %dma_start3A = arith.constant 0 : i32
      %dma_start3A_113 = tpu.memref_slice %arg4[%mul3A_112, %dma_start3A] : memref<36000x128xf32, #tpu.memory_space<hbm>> -> memref<200x128xf32, #tpu.memory_space<hbm>>
      %dma_start3A_114 = arith.constant 0 : i32
      %dma_start3A_115 = tpu.memref_slice %arg4[%mul3A_112, %dma_start3A_114] : memref<36000x128xf32, #tpu.memory_space<hbm>> -> memref<200x128xf32, #tpu.memory_space<hbm>>
      tpu.enqueue_dma source(%arg8 : memref<200x128xf32, #tpu.memory_space<vmem>>) target(%dma_start3A_115 : memref<200x128xf32, #tpu.memory_space<hbm>>) target_semaphore(%arg11 : memref<!tpu.dma_semaphore, #tpu.memory_space<semaphore_mem>>)
    } else {
    }
    %gt3A_65 = arith.constant 2 : i32
    %gt3A_66 = arith.cmpi sgt, %add3A_4, %gt3A_65 : i32
    %convert_element_type3A_67 = arith.extui %gt3A_66 : i1 to i32
    %cond3A_68 = arith.constant 0 : i32
    %cond3A_69 = arith.cmpi ne, %convert_element_type3A_67, %cond3A_68 : i32
    scf.if %cond3A_69 {
      %add3A_105 = arith.constant 2 : i32
      %add3A_106 = arith.addi %add3A_8, %add3A_105 : i32
      %mul3A_107 = arith.constant 200 : i32
      %mul3A_108 = arith.muli %add3A_106, %mul3A_107 : i32
      %dma_wait3A = arith.constant 0 : i32
      %dma_wait3A_109 = tpu.memref_slice %arg4[%mul3A_108, %dma_wait3A] : memref<36000x128xf32, #tpu.memory_space<hbm>> -> memref<200x128xf32, #tpu.memory_space<hbm>>
      %dma_wait3A_110 = arith.constant 0 : i32
      %dma_wait3A_111 = tpu.memref_slice %arg4[%mul3A_108, %dma_wait3A_110] : memref<36000x128xf32, #tpu.memory_space<hbm>> -> memref<200x128xf32, #tpu.memory_space<hbm>>
      tpu.wait_dma2 semaphore(%arg11 : memref<!tpu.dma_semaphore, #tpu.memory_space<semaphore_mem>>) src(%arg8 : memref<200x128xf32, #tpu.memory_space<vmem>>) dst(%dma_wait3A_111 : memref<200x128xf32, #tpu.memory_space<hbm>>)
    } else {
    }
    %gt3A_70 = arith.constant 5 : i32
    %gt3A_71 = arith.cmpi sgt, %add3A_4, %gt3A_70 : i32
    %convert_element_type3A_72 = arith.extui %gt3A_71 : i1 to i32
    %cond3A_73 = arith.constant 0 : i32
    %cond3A_74 = arith.cmpi ne, %convert_element_type3A_72, %cond3A_73 : i32
    scf.if %cond3A_74 {
      %dma_start3A = arith.constant 1000 : i32
      %dma_start3A_105 = tpu.memref_slice %arg5[%dma_start3A] : memref<1200xi32, #tpu.memory_space<vmem>> -> memref<200xi32, #tpu.memory_space<vmem>>
      %dma_start3A_106 = arith.constant 0 : i32
      %dma_start3A_107 = arith.constant 0 : i32
      %dma_start3A_108 = tpu.memref_slice %arg3[%dma_start3A_106, %dma_start3A_107] : memref<100000x128xf32, #tpu.memory_space<hbm>> -> memref<100000x128xf32, #tpu.memory_space<hbm>>
      tpu.enqueue_indirect_dma source(%dma_start3A_108 : memref<100000x128xf32, #tpu.memory_space<hbm>>) target(%arg8 : memref<200x128xf32, #tpu.memory_space<vmem>>) offsets(%dma_start3A_105 : memref<200xi32, #tpu.memory_space<vmem>>) semaphore(%arg11 : memref<!tpu.dma_semaphore, #tpu.memory_space<semaphore_mem>>)
    } else {
    }
    %gt3A_75 = arith.constant 3 : i32
    %gt3A_76 = arith.cmpi sgt, %add3A_4, %gt3A_75 : i32
    %convert_element_type3A_77 = arith.extui %gt3A_76 : i1 to i32
    %cond3A_78 = arith.constant 0 : i32
    %cond3A_79 = arith.cmpi ne, %convert_element_type3A_77, %cond3A_78 : i32
    scf.if %cond3A_79 {
      %dma_wait3A = arith.constant 600 : i32
      %dma_wait3A_105 = tpu.memref_slice %arg5[%dma_wait3A] : memref<1200xi32, #tpu.memory_space<vmem>> -> memref<200xi32, #tpu.memory_space<vmem>>
      %dma_wait3A_106 = arith.constant 0 : i32
      %dma_wait3A_107 = arith.constant 0 : i32
      %dma_wait3A_108 = tpu.memref_slice %arg3[%dma_wait3A_106, %dma_wait3A_107] : memref<100000x128xf32, #tpu.memory_space<hbm>> -> memref<100000x128xf32, #tpu.memory_space<hbm>>
      tpu.wait_indirect_dma semaphore(%arg9 : memref<!tpu.dma_semaphore, #tpu.memory_space<semaphore_mem>>) src(%dma_wait3A_108 : memref<100000x128xf32, #tpu.memory_space<hbm>>) dst(%arg6 : memref<200x128xf32, #tpu.memory_space<vmem>>)
      %add3A_109 = arith.constant 3 : i32
      %add3A_110 = arith.addi %add3A_8, %add3A_109 : i32
      %mul3A_111 = arith.constant 200 : i32
      %mul3A_112 = arith.muli %add3A_110, %mul3A_111 : i32
      %dma_start3A = arith.constant 0 : i32
      %dma_start3A_113 = tpu.memref_slice %arg4[%mul3A_112, %dma_start3A] : memref<36000x128xf32, #tpu.memory_space<hbm>> -> memref<200x128xf32, #tpu.memory_space<hbm>>
      %dma_start3A_114 = arith.constant 0 : i32
      %dma_start3A_115 = tpu.memref_slice %arg4[%mul3A_112, %dma_start3A_114] : memref<36000x128xf32, #tpu.memory_space<hbm>> -> memref<200x128xf32, #tpu.memory_space<hbm>>
      tpu.enqueue_dma source(%arg6 : memref<200x128xf32, #tpu.memory_space<vmem>>) target(%dma_start3A_115 : memref<200x128xf32, #tpu.memory_space<hbm>>) target_semaphore(%arg9 : memref<!tpu.dma_semaphore, #tpu.memory_space<semaphore_mem>>)
    } else {
    }
    %gt3A_80 = arith.constant 4 : i32
    %gt3A_81 = arith.cmpi sgt, %add3A_4, %gt3A_80 : i32
    %convert_element_type3A_82 = arith.extui %gt3A_81 : i1 to i32
    %cond3A_83 = arith.constant 0 : i32
    %cond3A_84 = arith.cmpi ne, %convert_element_type3A_82, %cond3A_83 : i32
    scf.if %cond3A_84 {
      %dma_wait3A = arith.constant 800 : i32
      %dma_wait3A_105 = tpu.memref_slice %arg5[%dma_wait3A] : memref<1200xi32, #tpu.memory_space<vmem>> -> memref<200xi32, #tpu.memory_space<vmem>>
      %dma_wait3A_106 = arith.constant 0 : i32
      %dma_wait3A_107 = arith.constant 0 : i32
      %dma_wait3A_108 = tpu.memref_slice %arg3[%dma_wait3A_106, %dma_wait3A_107] : memref<100000x128xf32, #tpu.memory_space<hbm>> -> memref<100000x128xf32, #tpu.memory_space<hbm>>
      tpu.wait_indirect_dma semaphore(%arg10 : memref<!tpu.dma_semaphore, #tpu.memory_space<semaphore_mem>>) src(%dma_wait3A_108 : memref<100000x128xf32, #tpu.memory_space<hbm>>) dst(%arg7 : memref<200x128xf32, #tpu.memory_space<vmem>>)
      %add3A_109 = arith.constant 4 : i32
      %add3A_110 = arith.addi %add3A_8, %add3A_109 : i32
      %mul3A_111 = arith.constant 200 : i32
      %mul3A_112 = arith.muli %add3A_110, %mul3A_111 : i32
      %dma_start3A = arith.constant 0 : i32
      %dma_start3A_113 = tpu.memref_slice %arg4[%mul3A_112, %dma_start3A] : memref<36000x128xf32, #tpu.memory_space<hbm>> -> memref<200x128xf32, #tpu.memory_space<hbm>>
      %dma_start3A_114 = arith.constant 0 : i32
      %dma_start3A_115 = tpu.memref_slice %arg4[%mul3A_112, %dma_start3A_114] : memref<36000x128xf32, #tpu.memory_space<hbm>> -> memref<200x128xf32, #tpu.memory_space<hbm>>
      tpu.enqueue_dma source(%arg7 : memref<200x128xf32, #tpu.memory_space<vmem>>) target(%dma_start3A_115 : memref<200x128xf32, #tpu.memory_space<hbm>>) target_semaphore(%arg10 : memref<!tpu.dma_semaphore, #tpu.memory_space<semaphore_mem>>)
    } else {
    }
    %gt3A_85 = arith.constant 5 : i32
    %gt3A_86 = arith.cmpi sgt, %add3A_4, %gt3A_85 : i32
    %convert_element_type3A_87 = arith.extui %gt3A_86 : i1 to i32
    %cond3A_88 = arith.constant 0 : i32
    %cond3A_89 = arith.cmpi ne, %convert_element_type3A_87, %cond3A_88 : i32
    scf.if %cond3A_89 {
      %dma_wait3A = arith.constant 1000 : i32
      %dma_wait3A_105 = tpu.memref_slice %arg5[%dma_wait3A] : memref<1200xi32, #tpu.memory_space<vmem>> -> memref<200xi32, #tpu.memory_space<vmem>>
      %dma_wait3A_106 = arith.constant 0 : i32
      %dma_wait3A_107 = arith.constant 0 : i32
      %dma_wait3A_108 = tpu.memref_slice %arg3[%dma_wait3A_106, %dma_wait3A_107] : memref<100000x128xf32, #tpu.memory_space<hbm>> -> memref<100000x128xf32, #tpu.memory_space<hbm>>
      tpu.wait_indirect_dma semaphore(%arg11 : memref<!tpu.dma_semaphore, #tpu.memory_space<semaphore_mem>>) src(%dma_wait3A_108 : memref<100000x128xf32, #tpu.memory_space<hbm>>) dst(%arg8 : memref<200x128xf32, #tpu.memory_space<vmem>>)
      %add3A_109 = arith.constant 5 : i32
      %add3A_110 = arith.addi %add3A_8, %add3A_109 : i32
      %mul3A_111 = arith.constant 200 : i32
      %mul3A_112 = arith.muli %add3A_110, %mul3A_111 : i32
      %dma_start3A = arith.constant 0 : i32
      %dma_start3A_113 = tpu.memref_slice %arg4[%mul3A_112, %dma_start3A] : memref<36000x128xf32, #tpu.memory_space<hbm>> -> memref<200x128xf32, #tpu.memory_space<hbm>>
      %dma_start3A_114 = arith.constant 0 : i32
      %dma_start3A_115 = tpu.memref_slice %arg4[%mul3A_112, %dma_start3A_114] : memref<36000x128xf32, #tpu.memory_space<hbm>> -> memref<200x128xf32, #tpu.memory_space<hbm>>
      tpu.enqueue_dma source(%arg8 : memref<200x128xf32, #tpu.memory_space<vmem>>) target(%dma_start3A_115 : memref<200x128xf32, #tpu.memory_space<hbm>>) target_semaphore(%arg11 : memref<!tpu.dma_semaphore, #tpu.memory_space<semaphore_mem>>)
    } else {
    }
    %gt3A_90 = arith.constant 3 : i32
    %gt3A_91 = arith.cmpi sgt, %add3A_4, %gt3A_90 : i32
    %convert_element_type3A_92 = arith.extui %gt3A_91 : i1 to i32
    %cond3A_93 = arith.constant 0 : i32
    %cond3A_94 = arith.cmpi ne, %convert_element_type3A_92, %cond3A_93 : i32
    scf.if %cond3A_94 {
      %add3A_105 = arith.constant 3 : i32
      %add3A_106 = arith.addi %add3A_8, %add3A_105 : i32
      %mul3A_107 = arith.constant 200 : i32
      %mul3A_108 = arith.muli %add3A_106, %mul3A_107 : i32
      %dma_wait3A = arith.constant 0 : i32
      %dma_wait3A_109 = tpu.memref_slice %arg4[%mul3A_108, %dma_wait3A] : memref<36000x128xf32, #tpu.memory_space<hbm>> -> memref<200x128xf32, #tpu.memory_space<hbm>>
      %dma_wait3A_110 = arith.constant 0 : i32
      %dma_wait3A_111 = tpu.memref_slice %arg4[%mul3A_108, %dma_wait3A_110] : memref<36000x128xf32, #tpu.memory_space<hbm>> -> memref<200x128xf32, #tpu.memory_space<hbm>>
      tpu.wait_dma2 semaphore(%arg9 : memref<!tpu.dma_semaphore, #tpu.memory_space<semaphore_mem>>) src(%arg6 : memref<200x128xf32, #tpu.memory_space<vmem>>) dst(%dma_wait3A_111 : memref<200x128xf32, #tpu.memory_space<hbm>>)
    } else {
    }
    %gt3A_95 = arith.constant 4 : i32
    %gt3A_96 = arith.cmpi sgt, %add3A_4, %gt3A_95 : i32
    %convert_element_type3A_97 = arith.extui %gt3A_96 : i1 to i32
    %cond3A_98 = arith.constant 0 : i32
    %cond3A_99 = arith.cmpi ne, %convert_element_type3A_97, %cond3A_98 : i32
    scf.if %cond3A_99 {
      %add3A_105 = arith.constant 4 : i32
      %add3A_106 = arith.addi %add3A_8, %add3A_105 : i32
      %mul3A_107 = arith.constant 200 : i32
      %mul3A_108 = arith.muli %add3A_106, %mul3A_107 : i32
      %dma_wait3A = arith.constant 0 : i32
      %dma_wait3A_109 = tpu.memref_slice %arg4[%mul3A_108, %dma_wait3A] : memref<36000x128xf32, #tpu.memory_space<hbm>> -> memref<200x128xf32, #tpu.memory_space<hbm>>
      %dma_wait3A_110 = arith.constant 0 : i32
      %dma_wait3A_111 = tpu.memref_slice %arg4[%mul3A_108, %dma_wait3A_110] : memref<36000x128xf32, #tpu.memory_space<hbm>> -> memref<200x128xf32, #tpu.memory_space<hbm>>
      tpu.wait_dma2 semaphore(%arg10 : memref<!tpu.dma_semaphore, #tpu.memory_space<semaphore_mem>>) src(%arg7 : memref<200x128xf32, #tpu.memory_space<vmem>>) dst(%dma_wait3A_111 : memref<200x128xf32, #tpu.memory_space<hbm>>)
    } else {
    }
    %gt3A_100 = arith.constant 5 : i32
    %gt3A_101 = arith.cmpi sgt, %add3A_4, %gt3A_100 : i32
    %convert_element_type3A_102 = arith.extui %gt3A_101 : i1 to i32
    %cond3A_103 = arith.constant 0 : i32
    %cond3A_104 = arith.cmpi ne, %convert_element_type3A_102, %cond3A_103 : i32
    scf.if %cond3A_104 {
      %add3A_105 = arith.constant 5 : i32
      %add3A_106 = arith.addi %add3A_8, %add3A_105 : i32
      %mul3A_107 = arith.constant 200 : i32
      %mul3A_108 = arith.muli %add3A_106, %mul3A_107 : i32
      %dma_wait3A = arith.constant 0 : i32
      %dma_wait3A_109 = tpu.memref_slice %arg4[%mul3A_108, %dma_wait3A] : memref<36000x128xf32, #tpu.memory_space<hbm>> -> memref<200x128xf32, #tpu.memory_space<hbm>>
      %dma_wait3A_110 = arith.constant 0 : i32
      %dma_wait3A_111 = tpu.memref_slice %arg4[%mul3A_108, %dma_wait3A_110] : memref<36000x128xf32, #tpu.memory_space<hbm>> -> memref<200x128xf32, #tpu.memory_space<hbm>>
      tpu.wait_dma2 semaphore(%arg11 : memref<!tpu.dma_semaphore, #tpu.memory_space<semaphore_mem>>) src(%arg8 : memref<200x128xf32, #tpu.memory_space<vmem>>) dst(%dma_wait3A_111 : memref<200x128xf32, #tpu.memory_space<hbm>>)
    } else {
    }
    return
  }
}

module attributes {stable_mosaic.version = 14 : i64} {
  func.func @_tc_body_chain(%arg0: i32, %arg1: memref<100000x128xf32, #tpu.memory_space<hbm>>, %arg2: memref<17x12800xi32, #tpu.memory_space<vmem>>, %arg3: memref<12800x128xf32, #tpu.memory_space<vmem>>, %arg4: memref<17x128xf32, #tpu.memory_space<vmem>>, %arg5: memref<1x128xf32, #tpu.memory_space<vmem>>, %arg6: memref<12800x128xf32, #tpu.memory_space<vmem>>) attributes {dimension_semantics = [#tpu.dimension_semantics<arbitrary>], iteration_bounds = array<i64: 4>, scalar_prefetch = 0 : i64, scratch_operands = 0 : i64, tpu.core_type = #tpu.core_type<tc>, window_params = [{}, {transform_indices = @transform_1, window_bounds = array<i64: 17, 12800>}, {transform_indices = @transform_2, window_bounds = array<i64: 12800, 128>}, {pipeline_mode = #tpu.pipeline_mode<synchronous>, transform_indices = @transform_3, window_bounds = array<i64: 17, 128>}, {pipeline_mode = #tpu.pipeline_mode<synchronous>, transform_indices = @transform_4, window_bounds = array<i64: 1, 128>}, {transform_indices = @transform_5, window_bounds = array<i64: 12800, 128>}]} {
    %get3A = arith.constant 0 : index
    %get3A_0 = arith.constant 0 : index
    %get3A_1 = vector.load %arg2[%get3A, %get3A_0] : memref<17x12800xi32, #tpu.memory_space<vmem>>, vector<17x12800xi32>
    %convert_element_type3A = arith.sitofp %get3A_1 : vector<17x12800xi32> to vector<17x12800xf32>
    %get3A_2 = arith.constant 0 : index
    %get3A_3 = arith.constant 0 : index
    %get3A_4 = vector.load %arg4[%get3A_2, %get3A_3] : memref<17x128xf32, #tpu.memory_space<vmem>>, vector<17x128xf32>
    %dot_general3A = arith.constant dense<0.000000e+00> : vector<12800x128xf32>
    %dot_general3A_5 = tpu.matmul %convert_element_type3A, %get3A_4, %dot_general3A {dimension_numbers = #tpu.dot_dimension_numbers<[0], [0], [1], [1], [0, 1, 1, 1], [], []>, transpose_lhs_hint = false} : vector<17x12800xf32>, vector<17x128xf32>, vector<12800x128xf32> -> vector<12800x128xf32>
    %get3A_6 = arith.constant 0 : index
    %get3A_7 = arith.constant 0 : index
    %get3A_8 = vector.load %arg5[%get3A_6, %get3A_7] : memref<1x128xf32, #tpu.memory_space<vmem>>, vector<1x128xf32>
    %add3A = vector.broadcast %get3A_8 : vector<1x128xf32> to vector<12800x128xf32>
    %add3A_9 = arith.addf %dot_general3A_5, %add3A : vector<12800x128xf32>
    %get3A_10 = arith.constant 0 : index
    %get3A_11 = arith.constant 0 : index
    %get3A_12 = vector.load %arg3[%get3A_10, %get3A_11] : memref<12800x128xf32, #tpu.memory_space<vmem>>, vector<12800x128xf32>
    %add3A_13 = arith.addf %add3A_9, %get3A_12 : vector<12800x128xf32>
    %swap3A = arith.constant 0 : index
    %swap3A_14 = arith.constant 0 : index
    %swap3A_15 = vector.load %arg6[%swap3A, %swap3A_14] : memref<12800x128xf32, #tpu.memory_space<vmem>>, vector<12800x128xf32>
    tpu.vector_store %arg6[%swap3A, %swap3A_14], %add3A_13 {strides = array<i32>} : memref<12800x128xf32, #tpu.memory_space<vmem>>, vector<12800x128xf32>,
    return
  }
  func.func @transform_1(%arg0: i32) -> (i32, i32) {
    %add3A = arith.constant 1 : i32
    %add3A_0 = arith.addi %arg0, %add3A : i32
    %c0_i32 = arith.constant 0 : i32
    %c0_i32_1 = arith.constant 0 : i32
    return %c0_i32, %add3A_0 : i32, i32
  }
  func.func @transform_2(%arg0: i32) -> (i32, i32) {
    %c0_i32 = arith.constant 0 : i32
    %c0_i32_0 = arith.constant 0 : i32
    return %arg0, %c0_i32 : i32, i32
  }
  func.func @transform_3(%arg0: i32) -> (i32, i32) {
    %c0_i32 = arith.constant 0 : i32
    %c0_i32_0 = arith.constant 0 : i32
    %c0_i32_1 = arith.constant 0 : i32
    return %c0_i32, %c0_i32_0 : i32, i32
  }
  func.func @transform_4(%arg0: i32) -> (i32, i32) {
    %c0_i32 = arith.constant 0 : i32
    %c0_i32_0 = arith.constant 0 : i32
    %c0_i32_1 = arith.constant 0 : i32
    return %c0_i32, %c0_i32_0 : i32, i32
  }
  func.func @transform_5(%arg0: i32) -> (i32, i32) {
    %add3A = arith.constant 1 : i32
    %add3A_0 = arith.addi %arg0, %add3A : i32
    %c0_i32 = arith.constant 0 : i32
    %c0_i32_1 = arith.constant 0 : i32
    return %add3A_0, %c0_i32 : i32, i32
  }
}

module attributes {stable_mosaic.version = 14 : i64} {
  func.func @_tc_body_first(%arg0: i32, %arg1: memref<17x12800xi32, #tpu.memory_space<vmem>>, %arg2: memref<12800x128xf32, #tpu.memory_space<vmem>>, %arg3: memref<17x128xf32, #tpu.memory_space<vmem>>, %arg4: memref<1x128xf32, #tpu.memory_space<vmem>>, %arg5: memref<12800x128xf32, #tpu.memory_space<vmem>>) attributes {dimension_semantics = [#tpu.dimension_semantics<arbitrary>], iteration_bounds = array<i64: 1>, scalar_prefetch = 0 : i64, scratch_operands = 0 : i64, tpu.core_type = #tpu.core_type<tc>, window_params = [{transform_indices = @transform_0, window_bounds = array<i64: 17, 12800>}, {transform_indices = @transform_1, window_bounds = array<i64: 12800, 128>}, {pipeline_mode = #tpu.pipeline_mode<synchronous>, transform_indices = @transform_2, window_bounds = array<i64: 17, 128>}, {pipeline_mode = #tpu.pipeline_mode<synchronous>, transform_indices = @transform_3, window_bounds = array<i64: 1, 128>}, {transform_indices = @transform_4, window_bounds = array<i64: 12800, 128>}]} {
    %get3A = arith.constant 0 : index
    %get3A_0 = arith.constant 0 : index
    %get3A_1 = vector.load %arg1[%get3A, %get3A_0] : memref<17x12800xi32, #tpu.memory_space<vmem>>, vector<17x12800xi32>
    %convert_element_type3A = arith.sitofp %get3A_1 : vector<17x12800xi32> to vector<17x12800xf32>
    %get3A_2 = arith.constant 0 : index
    %get3A_3 = arith.constant 0 : index
    %get3A_4 = vector.load %arg3[%get3A_2, %get3A_3] : memref<17x128xf32, #tpu.memory_space<vmem>>, vector<17x128xf32>
    %dot_general3A = arith.constant dense<0.000000e+00> : vector<12800x128xf32>
    %dot_general3A_5 = tpu.matmul %convert_element_type3A, %get3A_4, %dot_general3A {dimension_numbers = #tpu.dot_dimension_numbers<[0], [0], [1], [1], [0, 1, 1, 1], [], []>, transpose_lhs_hint = false} : vector<17x12800xf32>, vector<17x128xf32>, vector<12800x128xf32> -> vector<12800x128xf32>
    %get3A_6 = arith.constant 0 : index
    %get3A_7 = arith.constant 0 : index
    %get3A_8 = vector.load %arg4[%get3A_6, %get3A_7] : memref<1x128xf32, #tpu.memory_space<vmem>>, vector<1x128xf32>
    %add3A = vector.broadcast %get3A_8 : vector<1x128xf32> to vector<12800x128xf32>
    %add3A_9 = arith.addf %dot_general3A_5, %add3A : vector<12800x128xf32>
    %get3A_10 = arith.constant 0 : index
    %get3A_11 = arith.constant 0 : index
    %get3A_12 = vector.load %arg2[%get3A_10, %get3A_11] : memref<12800x128xf32, #tpu.memory_space<vmem>>, vector<12800x128xf32>
    %add3A_13 = arith.addf %add3A_9, %get3A_12 : vector<12800x128xf32>
    %swap3A = arith.constant 0 : index
    %swap3A_14 = arith.constant 0 : index
    %swap3A_15 = vector.load %arg5[%swap3A, %swap3A_14] : memref<12800x128xf32, #tpu.memory_space<vmem>>, vector<12800x128xf32>
    tpu.vector_store %arg5[%swap3A, %swap3A_14], %add3A_13 {strides = array<i32>} : memref<12800x128xf32, #tpu.memory_space<vmem>>, vector<12800x128xf32>,
    return
  }
  func.func @transform_0(%arg0: i32) -> (i32, i32) {
    %add3A = arith.constant 0 : i32
    %add3A_0 = arith.addi %arg0, %add3A : i32
    %c0_i32 = arith.constant 0 : i32
    %c0_i32_1 = arith.constant 0 : i32
    return %c0_i32, %add3A_0 : i32, i32
  }
  func.func @transform_1(%arg0: i32) -> (i32, i32) {
    %c0_i32 = arith.constant 0 : i32
    %c0_i32_0 = arith.constant 0 : i32
    return %arg0, %c0_i32 : i32, i32
  }
  func.func @transform_2(%arg0: i32) -> (i32, i32) {
    %c0_i32 = arith.constant 0 : i32
    %c0_i32_0 = arith.constant 0 : i32
    %c0_i32_1 = arith.constant 0 : i32
    return %c0_i32, %c0_i32_0 : i32, i32
  }
  func.func @transform_3(%arg0: i32) -> (i32, i32) {
    %c0_i32 = arith.constant 0 : i32
    %c0_i32_0 = arith.constant 0 : i32
    %c0_i32_1 = arith.constant 0 : i32
    return %c0_i32, %c0_i32_0 : i32, i32
  }
  func.func @transform_4(%arg0: i32) -> (i32, i32) {
    %add3A = arith.constant 0 : i32
    %add3A_0 = arith.addi %arg0, %add3A : i32
    %c0_i32 = arith.constant 0 : i32
    %c0_i32_1 = arith.constant 0 : i32
    return %add3A_0, %c0_i32 : i32, i32
  }
}

module attributes {stable_mosaic.version = 14 : i64} {
  func.func @_tc_body_chain(%arg0: i32, %arg1: memref<100000x128xf32, #tpu.memory_space<hbm>>, %arg2: memref<17x12800xi32, #tpu.memory_space<vmem>>, %arg3: memref<12800x128xf32, #tpu.memory_space<vmem>>, %arg4: memref<17x128xf32, #tpu.memory_space<vmem>>, %arg5: memref<1x128xf32, #tpu.memory_space<vmem>>, %arg6: memref<12800x128xf32, #tpu.memory_space<vmem>>) attributes {dimension_semantics = [#tpu.dimension_semantics<arbitrary>], iteration_bounds = array<i64: 3>, scalar_prefetch = 0 : i64, scratch_operands = 0 : i64, tpu.core_type = #tpu.core_type<tc>, window_params = [{}, {transform_indices = @transform_1, window_bounds = array<i64: 17, 12800>}, {transform_indices = @transform_2, window_bounds = array<i64: 12800, 128>}, {pipeline_mode = #tpu.pipeline_mode<synchronous>, transform_indices = @transform_3, window_bounds = array<i64: 17, 128>}, {pipeline_mode = #tpu.pipeline_mode<synchronous>, transform_indices = @transform_4, window_bounds = array<i64: 1, 128>}, {transform_indices = @transform_5, window_bounds = array<i64: 12800, 128>}]} {
    %get3A = arith.constant 0 : index
    %get3A_0 = arith.constant 0 : index
    %get3A_1 = vector.load %arg2[%get3A, %get3A_0] : memref<17x12800xi32, #tpu.memory_space<vmem>>, vector<17x12800xi32>
    %convert_element_type3A = arith.sitofp %get3A_1 : vector<17x12800xi32> to vector<17x12800xf32>
    %get3A_2 = arith.constant 0 : index
    %get3A_3 = arith.constant 0 : index
    %get3A_4 = vector.load %arg4[%get3A_2, %get3A_3] : memref<17x128xf32, #tpu.memory_space<vmem>>, vector<17x128xf32>
    %dot_general3A = arith.constant dense<0.000000e+00> : vector<12800x128xf32>
    %dot_general3A_5 = tpu.matmul %convert_element_type3A, %get3A_4, %dot_general3A {dimension_numbers = #tpu.dot_dimension_numbers<[0], [0], [1], [1], [0, 1, 1, 1], [], []>, transpose_lhs_hint = false} : vector<17x12800xf32>, vector<17x128xf32>, vector<12800x128xf32> -> vector<12800x128xf32>
    %get3A_6 = arith.constant 0 : index
    %get3A_7 = arith.constant 0 : index
    %get3A_8 = vector.load %arg5[%get3A_6, %get3A_7] : memref<1x128xf32, #tpu.memory_space<vmem>>, vector<1x128xf32>
    %add3A = vector.broadcast %get3A_8 : vector<1x128xf32> to vector<12800x128xf32>
    %add3A_9 = arith.addf %dot_general3A_5, %add3A : vector<12800x128xf32>
    %get3A_10 = arith.constant 0 : index
    %get3A_11 = arith.constant 0 : index
    %get3A_12 = vector.load %arg3[%get3A_10, %get3A_11] : memref<12800x128xf32, #tpu.memory_space<vmem>>, vector<12800x128xf32>
    %add3A_13 = arith.addf %add3A_9, %get3A_12 : vector<12800x128xf32>
    %swap3A = arith.constant 0 : index
    %swap3A_14 = arith.constant 0 : index
    %swap3A_15 = vector.load %arg6[%swap3A, %swap3A_14] : memref<12800x128xf32, #tpu.memory_space<vmem>>, vector<12800x128xf32>
    tpu.vector_store %arg6[%swap3A, %swap3A_14], %add3A_13 {strides = array<i32>} : memref<12800x128xf32, #tpu.memory_space<vmem>>, vector<12800x128xf32>,
    return
  }
  func.func @transform_1(%arg0: i32) -> (i32, i32) {
    %add3A = arith.constant 5 : i32
    %add3A_0 = arith.addi %arg0, %add3A : i32
    %c0_i32 = arith.constant 0 : i32
    %c0_i32_1 = arith.constant 0 : i32
    return %c0_i32, %add3A_0 : i32, i32
  }
  func.func @transform_2(%arg0: i32) -> (i32, i32) {
    %c0_i32 = arith.constant 0 : i32
    %c0_i32_0 = arith.constant 0 : i32
    return %arg0, %c0_i32 : i32, i32
  }
  func.func @transform_3(%arg0: i32) -> (i32, i32) {
    %c0_i32 = arith.constant 0 : i32
    %c0_i32_0 = arith.constant 0 : i32
    %c0_i32_1 = arith.constant 0 : i32
    return %c0_i32, %c0_i32_0 : i32, i32
  }
  func.func @transform_4(%arg0: i32) -> (i32, i32) {
    %c0_i32 = arith.constant 0 : i32
    %c0_i32_0 = arith.constant 0 : i32
    %c0_i32_1 = arith.constant 0 : i32
    return %c0_i32, %c0_i32_0 : i32, i32
  }
  func.func @transform_5(%arg0: i32) -> (i32, i32) {
    %add3A = arith.constant 5 : i32
    %add3A_0 = arith.addi %arg0, %add3A : i32
    %c0_i32 = arith.constant 0 : i32
    %c0_i32_1 = arith.constant 0 : i32
    return %add3A_0, %c0_i32 : i32, i32
  }
}

</mosaic_0001>

<sc_bundles>
// kernel: kernel.11.cloned.1.call-start
scs
__scs_entry_jumppad:
0x0: {  	(pc) =	sbr.rel $0x88, $3  }
0x1: {  	(tag) =	ssettag $0x0;
	lr =	simm.s32 $0x1  }
0x2: {  	[smem:$0x3F9D] =	sst lr;
	_ =	strace $0xD0000000  }
0x3: {  	_ = 	snop  }
0x4: {  	_ = 	snop  }
0x5: {  	_ = 	snop  }
0x6: {  	_ = 	snop  }
0x7: {  	_ = 	snop  }
__scs_overlays_trampoline_lowered:
0x8: {  	[smem:$0x3FAC] =	sst s0  }
0x9: {  	[smem:$0x3FAD] =	sst s1  }
0xa: {  	[smem:$0x3FAE] =	sst s2  }
0xb: {  	[smem:$0x3FAF] =	sst s3  }
0xc: {  	[smem:$0x3FB0] =	sst s4  }
0xd: {  	[smem:$0x3FB1] =	sst s5  }
0xe: {  	[smem:$0x3FB2] =	sst s6  }
0xf: {  	[smem:$0x3FB3] =	sst s7  }
0x10: {  	[smem:$0x3FB4] =	sst s8  }
0x11: {  	[smem:$0x3FB5] =	sst s9;
	s0 =	simm.s32 @!p0 $0x0  }
0x12: {  	s1 =	sld [smem:$0x3F9B];
	s0 =	simm.s32 @p0 $0x1  }
0x13: {  	[smem:$0x3FB6] =	sst s0;
	s0 =	simm.s32 @!p1 $0x0  }
0x14: {  	s2 =	sld [smem:$0x3F9A];
	s0 =	simm.s32 @p1 $0x1  }
0x15: {  	[smem:$0x3FB7] =	sst s0;
	s0 =	simm.s32 @!p2 $0x0  }
0x16: {  	s3 =	sld [smem:$0x3FDB];
	s0 =	simm.s32 @p2 $0x1  }
0x17: {  	s4 =	simm.s32 $0x1BF5;
	[smem:$0x3FB9] =	sst s0  }
0x18: {  	s0 =	sld [smem:$0x3F9C];
	_ =	swait.ge [sflag:s4], $0x0  }
0x19: {  	s7 =	sld [smem:$0x3F9D]  }
0x1a: {  	s8 =	sadd.s32 $0xFFFFE003, lr  }
0x1b: {  	s9 =	sadd.s32 $0xFFFFFEF7, lr;
	s5 =	simm.s32 $0xFFFFFFFF;
	p2 =	slt.u32 s8, $0xFFFFF086  }
0x1c: {  	p1 =	slt.u32 s9, $0xF7A;
	s5 =	simm.s32 @!p2 $0x0  }
0x1d: {  	s5 =	simm.s32 @p1 $0x1;
	p0 =	seq.s32 s7, s2  }
0x1e: {  	s7 =	smul.u32 @!p0 $0xF7A, s2;
	p2 =	seq.s32 @!p0 s5, $0x0  }
0x1f: {  	s9 =	smul.u32 $0xF7A, s1;
	s8 =	simm.s32 @!p0 $0x1BF5;
	p2 =	por !p2, p0  }
0x20: {  	[sflag:s8] =	ssyncset.s32 @!p0 $0xFFFFF086;
	s6 =	sadd.s32 @!p0 s3, s7;
	s7 =	simm.s32 @!p0 $0x108  }
0x21: {  	s3 =	sadd.s32 s3, s9;
	s6 =	sadd.s32 @!p0 $0x88, s6;
	s7 =	simm.s32 @p2 $0x1082  }
0x22: {  	[simem:s7], [sflag:s8] =	dma.local @!p0 [hbm:s6], $0xF7A  }
0x23: {  	s9 =	sor.u32 $0xD0000000, s2;
	s6 =	simm.s32 $0x108;
	_ =	swait.ge @!p0 [sflag:s8], $0x0  }
0x24: {  	s3 =	sadd.s32 $0x88, s3;
	s6 =	simm.s32 @!p1 $0x1082;
	[sflag:s4] =	ssyncset.s32 $0xFFFFF086  }
0x25: {  	[simem:s6], [sflag:s4] =	dma.local [hbm:s3], $0xF7A  }
0x26: {  	[smem:$0x3F9D] =	sst s1;
	(tag) =	ssettag s2;
	_ =	strace s9  }
0x27: {  	s1 =	sld [smem:$0x3FAD]  }
0x28: {  	s2 =	sld [smem:$0x3FAE]  }
0x29: {  	s4 =	sld [smem:$0x3FB0]  }
0x2a: {  	p0 =	seq.s32 s5, $0x0;
	s5 =	sld [smem:$0x3FB1]  }
0x2b: {  	s6 =	sld [smem:$0x3FB2]  }
0x2c: {  	s7 =	sld [smem:$0x3FB3]  }
0x2d: {  	s3 =	simm.s32 $0x108;
	s8 =	sld [smem:$0x3FB4]  }
0x2e: {  	s3 =	simm.s32 @!p0 $0x1082;
	s9 =	sld [smem:$0x3FB5]  }
0x2f: {  	lr =	sadd.s32 s0, s3;
	s0 =	sld [smem:$0x3FAC]  }
0x30: {  	s3 =	sld [smem:$0x3FAF]  }
0x31: {  	[smem:$0x3FB8] =	sst s10  }
0x32: {  	s10 =	sld [smem:$0x3FB6];
	_ =	sdelay $0x3  }
0x33: {  	p0 =	seq.s32 s10, $0x1;
	s10 =	sld [smem:$0x3FB8];
	_ =	sdelay $0x3  }
0x34: {  	[smem:$0x3FB8] =	sst s10  }
0x35: {  	s10 =	sld [smem:$0x3FB7];
	_ =	sdelay $0x3  }
0x36: {  	p1 =	seq.s32 s10, $0x1;
	s10 =	sld [smem:$0x3FB8];
	_ =	sdelay $0x3  }
0x37: {  	[smem:$0x3FB8] =	sst s10  }
0x38: {  	s10 =	sld [smem:$0x3FB9]  }
0x39: {  	_ = 	snop;
	(pc) =	sbr.ind lr, $3  }
0x3a: {  	_ = 	snop  }
0x3b: {  	_ = 	snop  }
0x3c: {  	p2 =	seq.s32 s10, $0x1;
	s10 =	sld [smem:$0x3FB8]  }
0x3d: {  	_ =	shalt  }
0x3e: {  	_ =	shalt  }
0x3f: {  	_ =	shalt  }
0x40: {  	_ =	shalt  }
0x41: {  	_ =	shalt  }
0x42: {  	_ =	shalt  }
0x43: {  	_ =	shalt  }
0x44: {  	_ =	shalt  }
0x45: {  	_ =	shalt  }
0x46: {  	_ =	shalt  }
0x47: {  	_ =	shalt  }
0x48: {  	_ =	shalt  }
0x49: {  	_ =	shalt  }
0x4a: {  	_ =	shalt  }
0x4b: {  	_ =	shalt  }
0x4c: {  	_ =	shalt  }
0x4d: {  	_ =	shalt  }
0x4e: {  	_ =	shalt  }
0x4f: {  	_ =	shalt  }
0x50: {  	_ =	shalt  }
0x51: {  	_ =	shalt  }
0x52: {  	_ =	shalt  }
0x53: {  	_ =	shalt  }
0x54: {  	_ =	shalt  }
0x55: {  	_ =	shalt  }
0x56: {  	_ =	shalt  }
0x57: {  	_ =	shalt  }
0x58: {  	_ =	shalt  }
0x59: {  	_ =	shalt  }
0x5a: {  	_ =	shalt  }
0x5b: {  	_ =	shalt  }
0x5c: {  	_ =	shalt  }
0x5d: {  	_ =	shalt  }
0x5e: {  	_ =	shalt  }
0x5f: {  	_ =	shalt  }
0x60: {  	_ =	shalt  }
0x61: {  	_ =	shalt  }
0x62: {  	_ =	shalt  }
0x63: {  	_ =	shalt  }
0x64: {  	_ =	shalt  }
0x65: {  	_ =	shalt  }
0x66: {  	_ =	shalt  }
0x67: {  	_ =	shalt  }
0x68: {  	_ =	shalt  }
0x69: {  	_ =	shalt  }
0x6a: {  	_ =	shalt  }
0x6b: {  	_ =	shalt  }
0x6c: {  	_ =	shalt  }
0x6d: {  	_ =	shalt  }
0x6e: {  	_ =	shalt  }
0x6f: {  	_ =	shalt  }
0x70: {  	_ =	shalt  }
0x71: {  	_ =	shalt  }
0x72: {  	_ =	shalt  }
0x73: {  	_ =	shalt  }
0x74: {  	_ =	shalt  }
0x75: {  	_ =	shalt  }
0x76: {  	_ =	shalt  }
0x77: {  	_ =	shalt  }
0x78: {  	_ =	shalt  }
0x79: {  	_ =	shalt  }
0x7a: {  	_ =	shalt  }
0x7b: {  	_ =	shalt  }
0x7c: {  	_ =	shalt  }
0x7d: {  	_ =	shalt  }
0x7e: {  	_ =	shalt  }
0x7f: {  	_ =	shalt  }
0x80: {  	_ =	shalt  }
0x81: {  	_ =	shalt  }
0x82: {  	_ =	shalt  }
0x83: {  	_ =	shalt  }
0x84: {  	_ =	shalt  }
0x85: {  	_ =	shalt  }
0x86: {  	_ =	shalt  }
0x87: {  	_ =	shalt  }
.Lfunc_end0:
.L_simem_size_0:
called_computation.1_lowered:
.L_overlay_start_0:
0x88: {  	s2 =	sld [smem:$0x3FD9]  }
0x89: {  	s3 =	sld [smem:$0x3FFE];
	_ =	sdelay $0x1  }
0x8a: {  	s1 =	srdreg.scid  }
0x8b: {  	s0 =	sand.u32 $0x1, s1  }
0x8c: {  	s17 =	sshll.u32 s0, $0xA;
	s2 =	sadd.s32 s3, s2  }
0x8d: {  	s2 =	sadd.s32 s2, s17  }
0x8e: {  	[smem:$0x3FC4] =	sst s2  }
0x8f: {  	_ = 	snop  }
0x90: {  	s18 =	sld [smem:$0x3FC8];
	(tm) =	ssettm $0x1  }
0x91: {  	s19 =	sld [smem:$0x3FFB];
	_ =	sdelay $0x3  }
0x92: {  	_ =	strace s19  }
0x93: {  	s2 =	sld [smem:$0x3FFC];
	_ =	sdelay $0x3  }
0x94: {  	_ =	strace s2  }
0x95: {  	s2 =	sld [smem:$0x3FFD];
	_ =	sdelay $0x3  }
0x96: {  	_ =	strace s2  }
0x97: {  	_ =	strace $0x8FFFFFFF  }
0x98: {  	s20 =	sld [smem:$0x3FDB];
	_ =	sdelay $0x1  }
0x99: {  	s4 =	simm.s32 $_scs_section_size  }
0x9a: {  	s5 =	simm.s32 $_size__tile_overlayer_lowered;
	s6 =	simm.s32 $_tile_overlayer_lowered  }
0x9b: {  	s7 =	simm.s32 $0x1BFF;
	s21 =	sshll.u32 s6, $0x1;
	s4 =	sadd.s32 s4, s20  }
0x9c: {  	s22 =	simm.s32 $0x0;
	s5 =	sshll.u32 s5, $0x1;
	s6 =	sadd.s32 s21, s4  }
0x9d: {  	[timem:s22], [sflag:s7] =	dma.local [hbm:s6], s5  }
0x9e: {  	_ =	swait.ge [sflag:s7], s5  }
0x9f: {  	s5 =	ssub.s32 $0x0, s5;
	[sflag:s7] =	ssyncset.done $0x0  }
0xa0: {  	[sflag:s7] =	ssyncadd.s32 s5;
	_ =	sdelay $0x1  }
0xa1: {  	s23 =	simm.s32 $0x1B8B  }
0xa2: {  	_ =	swait.ge [sflag:s23], $0x1  }
0xa3: {  	[sflag:s23] =	ssyncset.done $0x0  }
0xa4: {  	[sflag:s23] =	ssyncadd.s32 $0xFFFFFFFF  }
0xa5: {  	s5 =	sld [smem:$0x0]  }
0xa6: {  	s6 =	sand.u32 $0xFFFFFFFE, s1  }
0xa7: {  	p0 =	sne.s32 s1, s6  }
0xa8: {  	s6 =	sshll.u32 @p0 s6, $0xE  }
0xa9: {  	s6 =	sadd.s32 @p0 $0x11B8D, s6;
	s7 =	sshll.u32 @p0 s5, $0x11  }
0xaa: {  	s6 =	sor.u32 @p0 s7, s6  }
0xab: {  	[sflag:s6] =	ssyncadd.remote.s32 @p0 $0x1;
	_ =	sdelay $0x1  }
0xac: {  	s6 =	simm.s32 @p0 $0x1B8D  }
0xad: {  	_ =	swait.eq @p0 [sflag:s6], $0x1  }
0xae: {  	[sflag:s6] =	ssyncadd.s32 @p0 $0xFFFFFFFF  }
0xaf: {  	s7 =	sshll.u32 @!p0 s1, $0xE  }
0xb0: {  	s7 =	sor.u32 @!p0 $0x4000, s7;
	s6 =	simm.s32 @!p0 $0x1B8D  }
0xb1: {  	s5 =	sshll.u32 @!p0 s5, $0x11;
	s7 =	sadd.s32 @!p0 $0x11B8D, s7;
	_ =	swait.eq @!p0 [sflag:s6], $0x1  }
0xb2: {  	s5 =	sor.u32 @!p0 s5, s7;
	[sflag:s6] =	ssyncadd.s32 @!p0 $0xFFFFFFFF  }
0xb3: {  	s25 =	simm.s32 $0x1B8E;
	s24 =	sld [smem:$0x3FFE];
	[sflag:s5] =	ssyncadd.remote.s32 @!p0 $0x1  }
0xb4: {  	s26 =	simm.s32 $execute0_lowered;
	[smem:$0x3FD2] =	sst s25  }
0xb5: {  	s6 =	sshll.u32 s26, $0x1;
	_ =	strace $0x80000049;
	[dreg:$0x1] =	wrdreg $0xFFFFFFFF  }
0xb6: {  	s28 =	simm.s32 $_size_execute0_lowered;
	s4 =	sadd.s32 s4, s6;
	[dreg:$0x0] =	wrdreg $0x0  }
0xb7: {  	s6 =	sshll.u32 s28, $0x1;
	[dreg:$0x2] =	wrdreg s4  }
0xb8: {  	[dreg:$0x3] =	wrdreg s6  }
0xb9: {  	[dreg:$0x4] =	wrdreg $0xC0  }
0xba: {  	_ =	task [dreg:s22], $0x5FFFF  }
0xbb: {  	[dreg:$0x1] =	wrdreg $0xFFFFFFFF  }
0xbc: {  	[dreg:$0x0] =	wrdreg $0x60  }
0xbd: {  	[dreg:$0x2] =	wrdreg s24  }
0xbe: {  	[dreg:$0x3] =	wrdreg s18  }
0xbf: {  	[dreg:$0x4] =	wrdreg $0xA  }
0xc0: {  	_ =	task.clear_ibuf [dreg:s22], $0x5FFFF;
	_ =	strace $0x90000049  }
0xc1: {  	s29 =	simm.s32 $0xA;
	_ =	strace $0x8000004B  }
0xc2: {  	_ =	swait.ge [sflag:s29], $0x1  }
0xc3: {  	[sflag:s29] =	ssyncadd.s32 $0xFFFFFFFF  }
0xc4: {  	_ =	strace $0x9000004B  }
0xc5: {  	_ =	sfence  }
0xc6: {  	s30 =	sld [smem:$0x0];
	_ =	sdelay $0x2  }
0xc7: {  	s31 =	sshll.u32 s1, $0xD;
	s1 =	sshrl.u32 s1, $0x2  }
0xc8: {  	s4 =	sand.u32 $0x4000, s31;
	s1 =	sadd.s32 s1, s30  }
0xc9: {  	s0 =	sor.u32 s4, s0;
	s1 =	sshll.u32 s1, $0x11  }
0xca: {  	s0 =	sor.u32 s1, s0  }
0xcb: {  	s0 =	sadd.s32 $0x8F2B, s0  }
0xcc: {  	[sflag:s0] =	ssyncadd.remote.s32 $0x1  }
0xcd: {  	_ =	sfence.sel $0xFFFF  }
0xce: {  	[dreg:$0x0] =	wrdreg $0xFFFFFFFF;
	(pc) =	sbr.abs _section_cstart, $3  }
0xcf: {  	[dreg:$0x1] =	wrdreg $0xFFFFFFFF  }
0xd0: {  	_ =	task.clear_ibuf [dreg:s22], $0x2FFFF;
	_ =	strace $0x9FFFFFFF  }
0xd1: {  	(tm) =	ssettm $0x7FFFFFFF  }
tec
execute0_lowered:
.L_overlay_start_1:
0x0: {  	(tag) =	ssettag $0x1  }
0x1: {  	s1 =	srdreg.scid  }
0x2: {  	s0 =	stileid.u32;
	s28 =	sand.u32 $0x1, s1  }
0x3: {  	s31 =	sshll.u32 s0, $0x4;
	s2 =	sshll.u32 s28, $0x3  }
0x4: {  	s13 =	sor.u32 s2, s31  }
0x5: {  	s4 =	smul.u32 $0xC8, s13  }
0x6: {  	s12 =	rddreg [dreg:$0x0]  }
0x7: {  	s3 =	simm.s32 $0x0;
	s1 =	rddreg [dreg:$0x2];
	s4 =	sshrl.u32 s4, $0x3  }
0x8: {  	s5 =	simm.s32 $0x4;
	[smem:$0x7FF] =	sst s3;
	s4 =	sadd.s32 s12, s4  }
0x9: {  	s2 =	rddreg [dreg:$0x1];
	_ =	strace $0x8000004A;
	s4 =	sadd.s32 $0x2040, s4  }
0xa: {  	[tilespmem:s3], [sflag:$0x4] =	stream.linear.gather [hbm4b:s4+s3], $0x640, $0x38;
	[tilespmem:$0x13280] =	vst v63  }
0xb: {  	_ =	swait.ge [sflag:s5], $0x640  }
0xc: {  	[sflag:s5] =	ssyncset.done $0x0  }
0xd: {  	s6 =	simm.s32 $0xC8;
	s7 =	simm.s32 $0x680;
	[sflag:s5] =	ssyncadd.s32 $0xFFFFF9C0  }
0xe: {  	[tilespmem:s7], [sflag:$0x1] =	stream.indirect.gather [hbm4b:s2+s6], $0x80, s3, s6, $0xb8;
	[tilespmem:$0x13280] =	vst v63  }
0xf: {  	s8 =	simm.s32 $0x6A80  }
0x10: {  	[tilespmem:s8], [sflag:$0x2] =	stream.indirect.gather [hbm4b:s2+s6], $0x80, s6, s6, $0xb8;
	[tilespmem:$0x13280] =	vst v63  }
0x11: {  	s9 =	simm.s32 $0x190;
	s10 =	simm.s32 $0xCE80;
	s11 =	simm.s32 $0x1  }
0x12: {  	[tilespmem:s10], [sflag:$0x3] =	stream.indirect.gather [hbm4b:s2+s6], $0x80, s9, s6, $0xb8;
	[tilespmem:$0x13280] =	vst v63  }
0x13: {  	s14 =	smul.u32 $0xC80, s13;
	_ =	swait.ge [sflag:s11], $0x6400  }
0x14: {  	s15 =	sadd.s32 $0x4C00, s12;
	[sflag:s11] =	ssyncset.done $0x0  }
0x15: {  	s12 =	sadd.s32 s15, s14;
	[sflag:s11] =	ssyncadd.s32 $0xFFFF9C00  }
0x16: {  	[hbm4b:s12+s3] =	stream.linear.scatter [tilespmem:s7], [sflag:$0x1], $0x6400, $0x38;
	[tilespmem:$0x13280] =	vst v63  }
0x17: {  	_ =	swait.ge [sflag:s11], $0x6400  }
0x18: {  	s16 =	smul.u32 $0x6400, s13;
	[sflag:s11] =	ssyncset.done $0x0  }
0x19: {  	s13 =	simm.s32 $0x2;
	s14 =	simm.s32 $0x258;
	[sflag:s11] =	ssyncadd.s32 $0xFFFF9C00  }
0x1a: {  	[tilespmem:s7], [sflag:$0x1] =	stream.indirect.gather [hbm4b:s2+s6], $0x80, s14, s6, $0xb8;
	[tilespmem:$0x13280] =	vst v63  }
0x1b: {  	s16 =	sshrl.u32 s16, $0x3;
	_ =	swait.ge [sflag:s13], $0x6400  }
0x1c: {  	s26 =	sadd.s32 s15, s16;
	[sflag:s13] =	ssyncset.done $0x0  }
0x1d: {  	s15 =	sadd.s32 $0xC80, s26;
	[sflag:s13] =	ssyncadd.s32 $0xFFFF9C00  }
0x1e: {  	[hbm4b:s15+s3] =	stream.linear.scatter [tilespmem:s8], [sflag:$0x2], $0x6400, $0x38;
	[tilespmem:$0x13280] =	vst v63  }
0x1f: {  	_ =	swait.ge [sflag:s13], $0x6400  }
0x20: {  	[sflag:s13] =	ssyncset.done $0x0  }
0x21: {  	s17 =	simm.s32 $0x3;
	s16 =	simm.s32 $0x320;
	[sflag:s13] =	ssyncadd.s32 $0xFFFF9C00  }
0x22: {  	[tilespmem:s8], [sflag:$0x2] =	stream.indirect.gather [hbm4b:s2+s6], $0x80, s16, s6, $0xb8;
	[tilespmem:$0x13280] =	vst v63  }
0x23: {  	_ =	swait.ge [sflag:s17], $0x6400  }
0x24: {  	[sflag:s17] =	ssyncset.done $0x0  }
0x25: {  	s18 =	sadd.s32 $0x1900, s26;
	[sflag:s17] =	ssyncadd.s32 $0xFFFF9C00  }
0x26: {  	[hbm4b:s18+s3] =	stream.linear.scatter [tilespmem:s10], [sflag:$0x3], $0x6400, $0x38;
	[tilespmem:$0x13280] =	vst v63  }
0x27: {  	_ =	swait.ge [sflag:s17], $0x6400  }
0x28: {  	[sflag:s17] =	ssyncset.done $0x0  }
0x29: {  	s19 =	simm.s32 $0x3E8;
	[sflag:s17] =	ssyncadd.s32 $0xFFFF9C00  }
0x2a: {  	[tilespmem:s10], [sflag:$0x3] =	stream.indirect.gather [hbm4b:s2+s6], $0x80, s19, s6, $0xb8;
	[tilespmem:$0x13280] =	vst v63  }
0x2b: {  	_ =	swait.ge [sflag:s11], $0x6400  }
0x2c: {  	[sflag:s11] =	ssyncset.done $0x0  }
0x2d: {  	s20 =	sadd.s32 $0x2580, s26;
	[sflag:s11] =	ssyncadd.s32 $0xFFFF9C00  }
0x2e: {  	[hbm4b:s20+s3] =	stream.linear.scatter [tilespmem:s7], [sflag:$0x1], $0x6400, $0x38;
	[tilespmem:$0x13280] =	vst v63  }
0x2f: {  	_ =	swait.ge [sflag:s11], $0x6400  }
0x30: {  	[sflag:s11] =	ssyncset.done $0x0  }
0x31: {  	s21 =	simm.s32 $0x4B0;
	[sflag:s11] =	ssyncadd.s32 $0xFFFF9C00  }
0x32: {  	[tilespmem:s7], [sflag:$0x1] =	stream.indirect.gather [hbm4b:s2+s6], $0x80, s21, s6, $0xb8;
	[tilespmem:$0x13280] =	vst v63  }
0x33: {  	_ =	swait.ge [sflag:s13], $0x6400  }
0x34: {  	[sflag:s13] =	ssyncset.done $0x0  }
0x35: {  	s22 =	sadd.s32 $0x3200, s26;
	[sflag:s13] =	ssyncadd.s32 $0xFFFF9C00  }
0x36: {  	[hbm4b:s22+s3] =	stream.linear.scatter [tilespmem:s8], [sflag:$0x2], $0x6400, $0x38;
	[tilespmem:$0x13280] =	vst v63  }
0x37: {  	_ =	swait.ge [sflag:s13], $0x6400  }
0x38: {  	[sflag:s13] =	ssyncset.done $0x0  }
0x39: {  	s23 =	simm.s32 $0x578;
	[sflag:s13] =	ssyncadd.s32 $0xFFFF9C00  }
0x3a: {  	[tilespmem:s8], [sflag:$0x2] =	stream.indirect.gather [hbm4b:s2+s6], $0x80, s23, s6, $0xb8;
	[tilespmem:$0x13280] =	vst v63  }
0x3b: {  	_ =	swait.ge [sflag:s17], $0x6400  }
0x3c: {  	[sflag:s17] =	ssyncset.done $0x0  }
0x3d: {  	s24 =	sadd.s32 $0x3E80, s26;
	[sflag:s17] =	ssyncadd.s32 $0xFFFF9C00  }
0x3e: {  	[hbm4b:s24+s3] =	stream.linear.scatter [tilespmem:s10], [sflag:$0x3], $0x6400, $0x38;
	[tilespmem:$0x13280] =	vst v63  }
0x3f: {  	_ =	swait.ge [sflag:s11], $0x6400  }
0x40: {  	[sflag:s11] =	ssyncset.done $0x0  }
0x41: {  	s25 =	sadd.s32 $0x4B00, s26;
	[sflag:s11] =	ssyncadd.s32 $0xFFFF9C00  }
0x42: {  	[hbm4b:s25+s3] =	stream.linear.scatter [tilespmem:s7], [sflag:$0x1], $0x6400, $0x38;
	[tilespmem:$0x13280] =	vst v63  }
0x43: {  	_ =	swait.ge [sflag:s13], $0x6400  }
0x44: {  	s28 =	ssub.s32 $0x2, s28;
	[sflag:s13] =	ssyncset.done $0x0  }
0x45: {  	s29 =	sshrl.u32 s28, $0x1;
	s26 =	sadd.s32 $0x5780, s26;
	[sflag:s13] =	ssyncadd.s32 $0xFFFF9C00  }
0x46: {  	[hbm4b:s26+s3] =	stream.linear.scatter [tilespmem:s8], [sflag:$0x2], $0x6400, $0x38;
	[tilespmem:$0x13280] =	vst v63  }
0x47: {  	s28 =	ssub.s32 s28, s29;
	_ =	swait.ge [sflag:s17], $0x6400  }
0x48: {  	s28 =	smax.u32 s28, $0x1;
	[sflag:s17] =	ssyncset.done $0x0  }
0x49: {  	p0 =	sne.s32 s28, $0x1;
	[sflag:s17] =	ssyncadd.s32 $0xFFFF9C00  }
.Ltmp0:
0x4a: {  	_ =	swait.ge [sflag:s11], $0x6400;
	(pc) =	sbr.rel @!p0 .LBB2_2-.Ltmp0, $4  }
0x4b: {  	[sflag:s11] =	ssyncset.done $0x0  }
0x4c: {  	[sflag:s11] =	ssyncadd.s32 $0xFFFF9C00  }
0x4d: {  	_ =	swait.ge [sflag:s13], $0x6400  }
0x4e: {  	s28 =	sadd.s32 $0xFFFFFFFF, s28;
	[sflag:s13] =	ssyncset.done $0x0  }
.LBB2_1:
0x4f: {  	p0 =	sne.s32 s28, $0x1;
	s28 =	sadd.s32 $0xFFFFFFFF, s28;
	[sflag:s13] =	ssyncadd.s32 $0xFFFF9C00  }
0x50: {  	[tilespmem:s3], [sflag:$0x4] =	stream.linear.gather [hbm4b:s4+s3], $0x640, $0x38;
	[tilespmem:$0x13280] =	vst v63  }
0x51: {  	_ =	swait.ge [sflag:s5], $0x640  }
0x52: {  	[sflag:s5] =	ssyncset.done $0x0  }
0x53: {  	[sflag:s5] =	ssyncadd.s32 $0xFFFFF9C0  }
0x54: {  	[tilespmem:s7], [sflag:$0x1] =	stream.indirect.gather [hbm4b:s2+s6], $0x80, s3, s6, $0xb8;
	[tilespmem:$0x13280] =	vst v63  }
0x55: {  	_ = 	snop  }
0x56: {  	[tilespmem:s8], [sflag:$0x2] =	stream.indirect.gather [hbm4b:s2+s6], $0x80, s6, s6, $0xb8;
	[tilespmem:$0x13280] =	vst v63  }
0x57: {  	_ = 	snop  }
0x58: {  	[tilespmem:s10], [sflag:$0x3] =	stream.indirect.gather [hbm4b:s2+s6], $0x80, s9, s6, $0xb8;
	[tilespmem:$0x13280] =	vst v63  }
0x59: {  	_ =	swait.ge [sflag:s11], $0x6400  }
0x5a: {  	[sflag:s11] =	ssyncset.done $0x0  }
0x5b: {  	[sflag:s11] =	ssyncadd.s32 $0xFFFF9C00  }
0x5c: {  	[hbm4b:s12+s3] =	stream.linear.scatter [tilespmem:s7], [sflag:$0x1], $0x6400, $0x38;
	[tilespmem:$0x13280] =	vst v63  }
0x5d: {  	_ =	swait.ge [sflag:s11], $0x6400  }
0x5e: {  	[sflag:s11] =	ssyncset.done $0x0  }
0x5f: {  	[sflag:s11] =	ssyncadd.s32 $0xFFFF9C00  }
0x60: {  	[tilespmem:s7], [sflag:$0x1] =	stream.indirect.gather [hbm4b:s2+s6], $0x80, s14, s6, $0xb8;
	[tilespmem:$0x13280] =	vst v63  }
0x61: {  	_ =	swait.ge [sflag:s13], $0x6400  }
0x62: {  	[sflag:s13] =	ssyncset.done $0x0  }
0x63: {  	[sflag:s13] =	ssyncadd.s32 $0xFFFF9C00  }
0x64: {  	[hbm4b:s15+s3] =	stream.linear.scatter [tilespmem:s8], [sflag:$0x2], $0x6400, $0x38;
	[tilespmem:$0x13280] =	vst v63  }
0x65: {  	_ =	swait.ge [sflag:s13], $0x6400  }
0x66: {  	[sflag:s13] =	ssyncset.done $0x0  }
0x67: {  	[sflag:s13] =	ssyncadd.s32 $0xFFFF9C00  }
0x68: {  	[tilespmem:s8], [sflag:$0x2] =	stream.indirect.gather [hbm4b:s2+s6], $0x80, s16, s6, $0xb8;
	[tilespmem:$0x13280] =	vst v63  }
0x69: {  	_ =	swait.ge [sflag:s17], $0x6400  }
0x6a: {  	[sflag:s17] =	ssyncset.done $0x0  }
0x6b: {  	[sflag:s17] =	ssyncadd.s32 $0xFFFF9C00  }
0x6c: {  	[hbm4b:s18+s3] =	stream.linear.scatter [tilespmem:s10], [sflag:$0x3], $0x6400, $0x38;
	[tilespmem:$0x13280] =	vst v63  }
0x6d: {  	_ =	swait.ge [sflag:s17], $0x6400  }
0x6e: {  	[sflag:s17] =	ssyncset.done $0x0  }
0x6f: {  	[sflag:s17] =	ssyncadd.s32 $0xFFFF9C00  }
0x70: {  	[tilespmem:s10], [sflag:$0x3] =	stream.indirect.gather [hbm4b:s2+s6], $0x80, s19, s6, $0xb8;
	[tilespmem:$0x13280] =	vst v63  }
0x71: {  	_ =	swait.ge [sflag:s11], $0x6400  }
0x72: {  	[sflag:s11] =	ssyncset.done $0x0  }
0x73: {  	[sflag:s11] =	ssyncadd.s32 $0xFFFF9C00  }
0x74: {  	[hbm4b:s20+s3] =	stream.linear.scatter [tilespmem:s7], [sflag:$0x1], $0x6400, $0x38;
	[tilespmem:$0x13280] =	vst v63  }
0x75: {  	_ =	swait.ge [sflag:s11], $0x6400  }
0x76: {  	[sflag:s11] =	ssyncset.done $0x0  }
0x77: {  	[sflag:s11] =	ssyncadd.s32 $0xFFFF9C00  }
0x78: {  	[tilespmem:s7], [sflag:$0x1] =	stream.indirect.gather [hbm4b:s2+s6], $0x80, s21, s6, $0xb8;
	[tilespmem:$0x13280] =	vst v63  }
0x79: {  	_ =	swait.ge [sflag:s13], $0x6400  }
0x7a: {  	[sflag:s13] =	ssyncset.done $0x0  }
0x7b: {  	[sflag:s13] =	ssyncadd.s32 $0xFFFF9C00  }
0x7c: {  	[hbm4b:s22+s3] =	stream.linear.scatter [tilespmem:s8], [sflag:$0x2], $0x6400, $0x38;
	[tilespmem:$0x13280] =	vst v63  }
0x7d: {  	_ =	swait.ge [sflag:s13], $0x6400  }
0x7e: {  	[sflag:s13] =	ssyncset.done $0x0  }
0x7f: {  	[sflag:s13] =	ssyncadd.s32 $0xFFFF9C00  }
0x80: {  	[tilespmem:s8], [sflag:$0x2] =	stream.indirect.gather [hbm4b:s2+s6], $0x80, s23, s6, $0xb8;
	[tilespmem:$0x13280] =	vst v63  }
0x81: {  	_ =	swait.ge [sflag:s17], $0x6400  }
0x82: {  	[sflag:s17] =	ssyncset.done $0x0  }
0x83: {  	[sflag:s17] =	ssyncadd.s32 $0xFFFF9C00  }
0x84: {  	[hbm4b:s24+s3] =	stream.linear.scatter [tilespmem:s10], [sflag:$0x3], $0x6400, $0x38;
	[tilespmem:$0x13280] =	vst v63  }
0x85: {  	_ =	swait.ge [sflag:s11], $0x6400  }
0x86: {  	[sflag:s11] =	ssyncset.done $0x0  }
0x87: {  	[sflag:s11] =	ssyncadd.s32 $0xFFFF9C00  }
0x88: {  	[hbm4b:s25+s3] =	stream.linear.scatter [tilespmem:s7], [sflag:$0x1], $0x6400, $0x38;
	[tilespmem:$0x13280] =	vst v63  }
0x89: {  	_ =	swait.ge [sflag:s13], $0x6400  }
0x8a: {  	[sflag:s13] =	ssyncset.done $0x0  }
0x8b: {  	[sflag:s13] =	ssyncadd.s32 $0xFFFF9C00  }
0x8c: {  	[hbm4b:s26+s3] =	stream.linear.scatter [tilespmem:s8], [sflag:$0x2], $0x6400, $0x38;
	[tilespmem:$0x13280] =	vst v63  }
0x8d: {  	_ =	swait.ge [sflag:s17], $0x6400  }
0x8e: {  	[sflag:s17] =	ssyncset.done $0x0  }
0x8f: {  	[sflag:s17] =	ssyncadd.s32 $0xFFFF9C00  }
.Ltmp1:
0x90: {  	_ =	swait.ge [sflag:s11], $0x6400;
	(pc) =	sbr.rel @p0 .LBB2_1-.Ltmp1, $4  }
0x91: {  	[sflag:s11] =	ssyncset.done $0x0  }
0x92: {  	[sflag:s11] =	ssyncadd.s32 $0xFFFF9C00  }
0x93: {  	_ =	swait.ge [sflag:s13], $0x6400  }
0x94: {  	[sflag:s13] =	ssyncset.done $0x0  }
.LBB2_2:
0x95: {  	[sflag:s13] =	ssyncadd.s32 $0xFFFF9C00  }
0x96: {  	_ =	sfence.sel $0x180000  }
0x97: {  	[bflag:$0x0] =	sbarrier.arrive $0xFFFF  }
0x98: {  	p0 =	sne.s32 s0, $0x0;
	_ =	strace $0x9000004A  }
0x99: {  	s0 =	sadd.s32 @!p0 $0x100000, s1;
	[bflag:$0x2] =	sbarrier.arrive $0xFFFF  }
0x9a: {  	[sflag:s0] =	ssyncadd.tile.s32 @!p0 $0x1;
	_ =	shalt  }
.Lfunc_end2:
_tile_overlayer_lowered:
.L_overlay_start_2:
0x9b: {  	(tag) =	ssettag $0x2  }
0x9c: {  	s0 =	rddreg [dreg:$0x0];
	s2 =	stileid.u32  }
0x9d: {  	s1 =	rddreg [dreg:$0x1];
	p0 =	sne.s32 s2, $0x0  }
0x9e: {  	s3 =	rddreg [dreg:$0x2];
	[bflag:$0x3] =	sbarrier.arrive $0xFFFF;
	s2 =	simm.s32 @!p0 $0x1C04  }
0x9f: {  	[timem:s3], [sflag:s2] =	dma.local @!p0 [hbm:s0], s1  }
0xa0: {  	s0 =	simm.s32 @!p0 $0x4  }
0xa1: {  	_ =	swait.ge @!p0 [sflag:s0], s1  }
0xa2: {  	s1 =	ssub.s32 @!p0 $0x0, s1;
	[sflag:s0] =	ssyncset.done @!p0 $0x0  }
0xa3: {  	[sflag:s0] =	ssyncadd.s32 @!p0 s1  }
0xa4: {  	[bflag:$0x3] =	sbarrier.arrive $0xFFFF  }
0xa5: {  	_ =	shalt  }

// kernel: kernel.14.cloned.1.call-start
scs
__scs_entry_jumppad:
0x0: {  	(pc) =	sbr.rel $0x88, $3  }
0x1: {  	(tag) =	ssettag $0x0;
	lr =	simm.s32 $0x1  }
0x2: {  	[smem:$0x3F9D] =	sst lr;
	_ =	strace $0xD0000000  }
0x3: {  	_ = 	snop  }
0x4: {  	_ = 	snop  }
0x5: {  	_ = 	snop  }
0x6: {  	_ = 	snop  }
0x7: {  	_ = 	snop  }
__scs_overlays_trampoline_lowered:
0x8: {  	[smem:$0x3FAC] =	sst s0  }
0x9: {  	[smem:$0x3FAD] =	sst s1  }
0xa: {  	[smem:$0x3FAE] =	sst s2  }
0xb: {  	[smem:$0x3FAF] =	sst s3  }
0xc: {  	[smem:$0x3FB0] =	sst s4  }
0xd: {  	[smem:$0x3FB1] =	sst s5  }
0xe: {  	[smem:$0x3FB2] =	sst s6  }
0xf: {  	[smem:$0x3FB3] =	sst s7  }
0x10: {  	[smem:$0x3FB4] =	sst s8  }
0x11: {  	[smem:$0x3FB5] =	sst s9;
	s0 =	simm.s32 @!p0 $0x0  }
0x12: {  	s1 =	sld [smem:$0x3F9B];
	s0 =	simm.s32 @p0 $0x1  }
0x13: {  	[smem:$0x3FB6] =	sst s0;
	s0 =	simm.s32 @!p1 $0x0  }
0x14: {  	s2 =	sld [smem:$0x3F9A];
	s0 =	simm.s32 @p1 $0x1  }
0x15: {  	[smem:$0x3FB7] =	sst s0;
	s0 =	simm.s32 @!p2 $0x0  }
0x16: {  	s3 =	sld [smem:$0x3FDB];
	s0 =	simm.s32 @p2 $0x1  }
0x17: {  	s4 =	simm.s32 $0x1BF5;
	[smem:$0x3FB9] =	sst s0  }
0x18: {  	s0 =	sld [smem:$0x3F9C];
	_ =	swait.ge [sflag:s4], $0x0  }
0x19: {  	s7 =	sld [smem:$0x3F9D]  }
0x1a: {  	s8 =	sadd.s32 $0xFFFFE003, lr  }
0x1b: {  	s9 =	sadd.s32 $0xFFFFFEF7, lr;
	s5 =	simm.s32 $0xFFFFFFFF;
	p2 =	slt.u32 s8, $0xFFFFF086  }
0x1c: {  	p1 =	slt.u32 s9, $0xF7A;
	s5 =	simm.s32 @!p2 $0x0  }
0x1d: {  	s5 =	simm.s32 @p1 $0x1;
	p0 =	seq.s32 s7, s2  }
0x1e: {  	s7 =	smul.u32 @!p0 $0xF7A, s2;
	p2 =	seq.s32 @!p0 s5, $0x0  }
0x1f: {  	s9 =	smul.u32 $0xF7A, s1;
	s8 =	simm.s32 @!p0 $0x1BF5;
	p2 =	por !p2, p0  }
0x20: {  	[sflag:s8] =	ssyncset.s32 @!p0 $0xFFFFF086;
	s6 =	sadd.s32 @!p0 s3, s7;
	s7 =	simm.s32 @!p0 $0x108  }
0x21: {  	s3 =	sadd.s32 s3, s9;
	s6 =	sadd.s32 @!p0 $0x88, s6;
	s7 =	simm.s32 @p2 $0x1082  }
0x22: {  	[simem:s7], [sflag:s8] =	dma.local @!p0 [hbm:s6], $0xF7A  }
0x23: {  	s9 =	sor.u32 $0xD0000000, s2;
	s6 =	simm.s32 $0x108;
	_ =	swait.ge @!p0 [sflag:s8], $0x0  }
0x24: {  	s3 =	sadd.s32 $0x88, s3;
	s6 =	simm.s32 @!p1 $0x1082;
	[sflag:s4] =	ssyncset.s32 $0xFFFFF086  }
0x25: {  	[simem:s6], [sflag:s4] =	dma.local [hbm:s3], $0xF7A  }
0x26: {  	[smem:$0x3F9D] =	sst s1;
	(tag) =	ssettag s2;
	_ =	strace s9  }
0x27: {  	s1 =	sld [smem:$0x3FAD]  }
0x28: {  	s2 =	sld [smem:$0x3FAE]  }
0x29: {  	s4 =	sld [smem:$0x3FB0]  }
0x2a: {  	p0 =	seq.s32 s5, $0x0;
	s5 =	sld [smem:$0x3FB1]  }
0x2b: {  	s6 =	sld [smem:$0x3FB2]  }
0x2c: {  	s7 =	sld [smem:$0x3FB3]  }
0x2d: {  	s3 =	simm.s32 $0x108;
	s8 =	sld [smem:$0x3FB4]  }
0x2e: {  	s3 =	simm.s32 @!p0 $0x1082;
	s9 =	sld [smem:$0x3FB5]  }
0x2f: {  	lr =	sadd.s32 s0, s3;
	s0 =	sld [smem:$0x3FAC]  }
0x30: {  	s3 =	sld [smem:$0x3FAF]  }
0x31: {  	[smem:$0x3FB8] =	sst s10  }
0x32: {  	s10 =	sld [smem:$0x3FB6];
	_ =	sdelay $0x3  }
0x33: {  	p0 =	seq.s32 s10, $0x1;
	s10 =	sld [smem:$0x3FB8];
	_ =	sdelay $0x3  }
0x34: {  	[smem:$0x3FB8] =	sst s10  }
0x35: {  	s10 =	sld [smem:$0x3FB7];
	_ =	sdelay $0x3  }
0x36: {  	p1 =	seq.s32 s10, $0x1;
	s10 =	sld [smem:$0x3FB8];
	_ =	sdelay $0x3  }
0x37: {  	[smem:$0x3FB8] =	sst s10  }
0x38: {  	s10 =	sld [smem:$0x3FB9]  }
0x39: {  	_ = 	snop;
	(pc) =	sbr.ind lr, $3  }
0x3a: {  	_ = 	snop  }
0x3b: {  	_ = 	snop  }
0x3c: {  	p2 =	seq.s32 s10, $0x1;
	s10 =	sld [smem:$0x3FB8]  }
0x3d: {  	_ =	shalt  }
0x3e: {  	_ =	shalt  }
0x3f: {  	_ =	shalt  }
0x40: {  	_ =	shalt  }
0x41: {  	_ =	shalt  }
0x42: {  	_ =	shalt  }
0x43: {  	_ =	shalt  }
0x44: {  	_ =	shalt  }
0x45: {  	_ =	shalt  }
0x46: {  	_ =	shalt  }
0x47: {  	_ =	shalt  }
0x48: {  	_ =	shalt  }
0x49: {  	_ =	shalt  }
0x4a: {  	_ =	shalt  }
0x4b: {  	_ =	shalt  }
0x4c: {  	_ =	shalt  }
0x4d: {  	_ =	shalt  }
0x4e: {  	_ =	shalt  }
0x4f: {  	_ =	shalt  }
0x50: {  	_ =	shalt  }
0x51: {  	_ =	shalt  }
0x52: {  	_ =	shalt  }
0x53: {  	_ =	shalt  }
0x54: {  	_ =	shalt  }
0x55: {  	_ =	shalt  }
0x56: {  	_ =	shalt  }
0x57: {  	_ =	shalt  }
0x58: {  	_ =	shalt  }
0x59: {  	_ =	shalt  }
0x5a: {  	_ =	shalt  }
0x5b: {  	_ =	shalt  }
0x5c: {  	_ =	shalt  }
0x5d: {  	_ =	shalt  }
0x5e: {  	_ =	shalt  }
0x5f: {  	_ =	shalt  }
0x60: {  	_ =	shalt  }
0x61: {  	_ =	shalt  }
0x62: {  	_ =	shalt  }
0x63: {  	_ =	shalt  }
0x64: {  	_ =	shalt  }
0x65: {  	_ =	shalt  }
0x66: {  	_ =	shalt  }
0x67: {  	_ =	shalt  }
0x68: {  	_ =	shalt  }
0x69: {  	_ =	shalt  }
0x6a: {  	_ =	shalt  }
0x6b: {  	_ =	shalt  }
0x6c: {  	_ =	shalt  }
0x6d: {  	_ =	shalt  }
0x6e: {  	_ =	shalt  }
0x6f: {  	_ =	shalt  }
0x70: {  	_ =	shalt  }
0x71: {  	_ =	shalt  }
0x72: {  	_ =	shalt  }
0x73: {  	_ =	shalt  }
0x74: {  	_ =	shalt  }
0x75: {  	_ =	shalt  }
0x76: {  	_ =	shalt  }
0x77: {  	_ =	shalt  }
0x78: {  	_ =	shalt  }
0x79: {  	_ =	shalt  }
0x7a: {  	_ =	shalt  }
0x7b: {  	_ =	shalt  }
0x7c: {  	_ =	shalt  }
0x7d: {  	_ =	shalt  }
0x7e: {  	_ =	shalt  }
0x7f: {  	_ =	shalt  }
0x80: {  	_ =	shalt  }
0x81: {  	_ =	shalt  }
0x82: {  	_ =	shalt  }
0x83: {  	_ =	shalt  }
0x84: {  	_ =	shalt  }
0x85: {  	_ =	shalt  }
0x86: {  	_ =	shalt  }
0x87: {  	_ =	shalt  }
.Lfunc_end0:
.L_simem_size_0:
called_computation.2_lowered:
.L_overlay_start_0:
0x88: {  	s2 =	sld [smem:$0x3FD9]  }
0x89: {  	s3 =	sld [smem:$0x3FFE];
	_ =	sdelay $0x1  }
0x8a: {  	s1 =	srdreg.scid  }
0x8b: {  	s0 =	sand.u32 $0x1, s1  }
0x8c: {  	s17 =	sshll.u32 s0, $0xA;
	s2 =	sadd.s32 s3, s2  }
0x8d: {  	s2 =	sadd.s32 s2, s17  }
0x8e: {  	[smem:$0x3FC4] =	sst s2  }
0x8f: {  	_ = 	snop  }
0x90: {  	s18 =	sld [smem:$0x3FC8];
	(tm) =	ssettm $0x1  }
0x91: {  	s19 =	sld [smem:$0x3FFB];
	_ =	sdelay $0x3  }
0x92: {  	_ =	strace s19  }
0x93: {  	s2 =	sld [smem:$0x3FFC];
	_ =	sdelay $0x3  }
0x94: {  	_ =	strace s2  }
0x95: {  	s2 =	sld [smem:$0x3FFD];
	_ =	sdelay $0x3  }
0x96: {  	_ =	strace s2  }
0x97: {  	_ =	strace $0x8FFFFFFF  }
0x98: {  	s20 =	sld [smem:$0x3FDB];
	_ =	sdelay $0x1  }
0x99: {  	s4 =	simm.s32 $_scs_section_size  }
0x9a: {  	s5 =	simm.s32 $_size__tile_overlayer_lowered;
	s6 =	simm.s32 $_tile_overlayer_lowered  }
0x9b: {  	s7 =	simm.s32 $0x1BFF;
	s21 =	sshll.u32 s6, $0x1;
	s4 =	sadd.s32 s4, s20  }
0x9c: {  	s22 =	simm.s32 $0x0;
	s5 =	sshll.u32 s5, $0x1;
	s6 =	sadd.s32 s21, s4  }
0x9d: {  	[timem:s22], [sflag:s7] =	dma.local [hbm:s6], s5  }
0x9e: {  	_ =	swait.ge [sflag:s7], s5  }
0x9f: {  	s5 =	ssub.s32 $0x0, s5;
	[sflag:s7] =	ssyncset.done $0x0  }
0xa0: {  	[sflag:s7] =	ssyncadd.s32 s5;
	_ =	sdelay $0x1  }
0xa1: {  	s23 =	simm.s32 $0x1B8B  }
0xa2: {  	_ =	swait.ge [sflag:s23], $0x1  }
0xa3: {  	[sflag:s23] =	ssyncset.done $0x0  }
0xa4: {  	[sflag:s23] =	ssyncadd.s32 $0xFFFFFFFF  }
0xa5: {  	s5 =	sld [smem:$0x0]  }
0xa6: {  	s6 =	sand.u32 $0xFFFFFFFE, s1  }
0xa7: {  	p0 =	sne.s32 s1, s6  }
0xa8: {  	s6 =	sshll.u32 @p0 s6, $0xE  }
0xa9: {  	s6 =	sadd.s32 @p0 $0x11B8D, s6;
	s7 =	sshll.u32 @p0 s5, $0x11  }
0xaa: {  	s6 =	sor.u32 @p0 s7, s6  }
0xab: {  	[sflag:s6] =	ssyncadd.remote.s32 @p0 $0x1;
	_ =	sdelay $0x1  }
0xac: {  	s6 =	simm.s32 @p0 $0x1B8D  }
0xad: {  	_ =	swait.eq @p0 [sflag:s6], $0x1  }
0xae: {  	[sflag:s6] =	ssyncadd.s32 @p0 $0xFFFFFFFF  }
0xaf: {  	s7 =	sshll.u32 @!p0 s1, $0xE  }
0xb0: {  	s7 =	sor.u32 @!p0 $0x4000, s7;
	s6 =	simm.s32 @!p0 $0x1B8D  }
0xb1: {  	s5 =	sshll.u32 @!p0 s5, $0x11;
	s7 =	sadd.s32 @!p0 $0x11B8D, s7;
	_ =	swait.eq @!p0 [sflag:s6], $0x1  }
0xb2: {  	s5 =	sor.u32 @!p0 s5, s7;
	[sflag:s6] =	ssyncadd.s32 @!p0 $0xFFFFFFFF  }
0xb3: {  	s25 =	simm.s32 $0x1B8E;
	s24 =	sld [smem:$0x3FFE];
	[sflag:s5] =	ssyncadd.remote.s32 @!p0 $0x1  }
0xb4: {  	s26 =	simm.s32 $execute0_lowered;
	[smem:$0x3FD2] =	sst s25  }
0xb5: {  	s6 =	sshll.u32 s26, $0x1;
	_ =	strace $0x8000004C;
	[dreg:$0x1] =	wrdreg $0xFFFFFFFF  }
0xb6: {  	s28 =	simm.s32 $_size_execute0_lowered;
	s4 =	sadd.s32 s4, s6;
	[dreg:$0x0] =	wrdreg $0x0  }
0xb7: {  	s6 =	sshll.u32 s28, $0x1;
	[dreg:$0x2] =	wrdreg s4  }
0xb8: {  	[dreg:$0x3] =	wrdreg s6  }
0xb9: {  	[dreg:$0x4] =	wrdreg $0xC0  }
0xba: {  	_ =	task [dreg:s22], $0x5FFFF  }
0xbb: {  	[dreg:$0x1] =	wrdreg $0xFFFFFFFF  }
0xbc: {  	[dreg:$0x0] =	wrdreg $0x60  }
0xbd: {  	[dreg:$0x2] =	wrdreg s24  }
0xbe: {  	[dreg:$0x3] =	wrdreg s18  }
0xbf: {  	[dreg:$0x4] =	wrdreg $0xB  }
0xc0: {  	_ =	task.clear_ibuf [dreg:s22], $0x5FFFF;
	_ =	strace $0x9000004C  }
0xc1: {  	s29 =	simm.s32 $0xB;
	_ =	strace $0x8000004E  }
0xc2: {  	_ =	swait.ge [sflag:s29], $0x1  }
0xc3: {  	[sflag:s29] =	ssyncadd.s32 $0xFFFFFFFF  }
0xc4: {  	_ =	strace $0x9000004E  }
0xc5: {  	_ =	sfence  }
0xc6: {  	s30 =	sld [smem:$0x0];
	_ =	sdelay $0x2  }
0xc7: {  	s31 =	sshll.u32 s1, $0xD;
	s1 =	sshrl.u32 s1, $0x2  }
0xc8: {  	s4 =	sand.u32 $0x4000, s31;
	s1 =	sadd.s32 s1, s30  }
0xc9: {  	s0 =	sor.u32 s4, s0;
	s1 =	sshll.u32 s1, $0x11  }
0xca: {  	s0 =	sor.u32 s1, s0  }
0xcb: {  	s0 =	sadd.s32 $0x8F2B, s0  }
0xcc: {  	[sflag:s0] =	ssyncadd.remote.s32 $0x1  }
0xcd: {  	_ =	sfence.sel $0xFFFF  }
0xce: {  	[dreg:$0x0] =	wrdreg $0xFFFFFFFF;
	(pc) =	sbr.abs _section_cstart, $3  }
0xcf: {  	[dreg:$0x1] =	wrdreg $0xFFFFFFFF  }
0xd0: {  	_ =	task.clear_ibuf [dreg:s22], $0x2FFFF;
	_ =	strace $0x9FFFFFFF  }
0xd1: {  	(tm) =	ssettm $0x7FFFFFFF  }
tec
execute0_lowered:
.L_overlay_start_1:
0x0: {  	(tag) =	ssettag $0x1  }
0x1: {  	s1 =	srdreg.scid;
	s0 =	stileid.u32  }
0x2: {  	s1 =	sand.u32 $0x1, s1;
	s2 =	sshll.u32 s0, $0x1  }
0x3: {  	s2 =	sor.u32 s1, s2  }
0x4: {  	s3 =	smul.u32 $0x5, s2  }
0x5: {  	s2 =	smin.u32 s2, $0x14  }
0x6: {  	s16 =	sadd.s32 s2, s3  }
0x7: {  	s4 =	smul.u32 $0xC8, s16  }
0x8: {  	s15 =	rddreg [dreg:$0x0]  }
0x9: {  	s5 =	sadd.s32 $0x1A00, s15;
	s6 =	sshrl.u32 s4, $0x3  }
0xa: {  	s2 =	rddreg [dreg:$0x1];
	s3 =	simm.s32 $0x0;
	s6 =	sadd.s32 s5, s6  }
0xb: {  	[smem:$0x7FF] =	sst s3;
	s6 =	sadd.s32 $0x1F40, s6  }
0xc: {  	p0 =	sgt.u32 s0, $0x9;
	_ =	strace $0x8000004D;
	[dreg:$0x3] =	wrdreg s6  }
0xd: {  	s7 =	sadd.s32 $0xFDE8, s4;
	s4 =	simm.s32 $0x5;
	s6 =	rddreg [dreg:$0x3]  }
0xe: {  	[tilespmem:s3], [sflag:$0x5] =	stream.linear.gather [hbm4b:s6+s3], $0x3E8, $0x38;
	[tilespmem:$0x13100] =	vst v63  }
0xf: {  	s8 =	simm.s32 @!p0 $0x3E8;
	_ =	swait.ge [sflag:s4], $0x3E8  }
0x10: {  	s26 =	sshrl.u32 s7, $0x3;
	s7 =	simm.s32 @!p0 $0x0;
	[sflag:s4] =	ssyncset.done $0x0  }
0x11: {  	s5 =	sadd.s32 s5, s26;
	s6 =	simm.s32 @!p0 $0x4;
	[sflag:s4] =	ssyncadd.s32 $0xFFFFFC18  }
0x12: {  	[tilespmem:s8], [sflag:$0x4] =	stream.linear.gather @!p0 [hbm4b:s5+s7], $0xC8, $0x38;
	[tilespmem:$0x13100] =	vst v63  }
0x13: {  	_ =	swait.ge @!p0 [sflag:s6], $0xC8  }
0x14: {  	[sflag:s6] =	ssyncset.done @!p0 $0x0  }
0x15: {  	s9 =	simm.s32 $0xC8;
	s10 =	simm.s32 $0x500;
	[sflag:s6] =	ssyncadd.s32 @!p0 $0xFFFFFF38  }
0x16: {  	[tilespmem:s10], [sflag:$0x1] =	stream.indirect.gather [hbm4b:s2+s9], $0x80, s3, s9, $0xb8;
	[tilespmem:$0x13100] =	vst v63  }
0x17: {  	s11 =	simm.s32 $0x6900  }
0x18: {  	[tilespmem:s11], [sflag:$0x2] =	stream.indirect.gather [hbm4b:s2+s9], $0x80, s9, s9, $0xb8;
	[tilespmem:$0x13100] =	vst v63  }
0x19: {  	s12 =	simm.s32 $0x190;
	s13 =	simm.s32 $0xCD00;
	s14 =	simm.s32 $0x1  }
0x1a: {  	[tilespmem:s13], [sflag:$0x3] =	stream.indirect.gather [hbm4b:s2+s9], $0x80, s12, s9, $0xb8;
	[tilespmem:$0x13100] =	vst v63  }
0x1b: {  	s17 =	smul.u32 $0xC80, s16;
	_ =	swait.ge [sflag:s14], $0x6400  }
0x1c: {  	s18 =	sadd.s32 $0xCCC00, s15;
	[sflag:s14] =	ssyncset.done $0x0  }
0x1d: {  	s15 =	sadd.s32 s18, s17;
	[sflag:s14] =	ssyncadd.s32 $0xFFFF9C00  }
0x1e: {  	[hbm4b:s15+s3] =	stream.linear.scatter [tilespmem:s10], [sflag:$0x1], $0x6400, $0x38;
	[tilespmem:$0x13100] =	vst v63  }
0x1f: {  	_ =	swait.ge [sflag:s14], $0x6400  }
0x20: {  	s19 =	smul.u32 $0x6400, s16;
	[sflag:s14] =	ssyncset.done $0x0  }
0x21: {  	s16 =	simm.s32 $0x258;
	s17 =	simm.s32 $0x2;
	[sflag:s14] =	ssyncadd.s32 $0xFFFF9C00  }
0x22: {  	[tilespmem:s10], [sflag:$0x1] =	stream.indirect.gather [hbm4b:s2+s9], $0x80, s16, s9, $0xb8;
	[tilespmem:$0x13100] =	vst v63  }
0x23: {  	s19 =	sshrl.u32 s19, $0x3;
	_ =	swait.ge [sflag:s17], $0x6400  }
0x24: {  	s28 =	sadd.s32 s18, s19;
	[sflag:s17] =	ssyncset.done $0x0  }
0x25: {  	s18 =	sadd.s32 $0xC80, s28;
	[sflag:s17] =	ssyncadd.s32 $0xFFFF9C00  }
0x26: {  	[hbm4b:s18+s3] =	stream.linear.scatter [tilespmem:s11], [sflag:$0x2], $0x6400, $0x38;
	[tilespmem:$0x13100] =	vst v63  }
0x27: {  	_ =	swait.ge [sflag:s17], $0x6400  }
0x28: {  	[sflag:s17] =	ssyncset.done $0x0  }
0x29: {  	s20 =	simm.s32 $0x3;
	s19 =	simm.s32 $0x320;
	[sflag:s17] =	ssyncadd.s32 $0xFFFF9C00  }
0x2a: {  	[tilespmem:s11], [sflag:$0x2] =	stream.indirect.gather [hbm4b:s2+s9], $0x80, s19, s9, $0xb8;
	[tilespmem:$0x13100] =	vst v63  }
0x2b: {  	_ =	swait.ge [sflag:s20], $0x6400  }
0x2c: {  	[sflag:s20] =	ssyncset.done $0x0  }
0x2d: {  	s21 =	sadd.s32 $0x1900, s28;
	[sflag:s20] =	ssyncadd.s32 $0xFFFF9C00  }
0x2e: {  	[hbm4b:s21+s3] =	stream.linear.scatter [tilespmem:s13], [sflag:$0x3], $0x6400, $0x38;
	[tilespmem:$0x13100] =	vst v63  }
0x2f: {  	_ =	swait.ge [sflag:s20], $0x6400  }
0x30: {  	[sflag:s20] =	ssyncset.done $0x0  }
0x31: {  	s22 =	simm.s32 @!p0 $0xC8;
	s23 =	simm.s32 @!p0 $0xCD00;
	[sflag:s20] =	ssyncadd.s32 $0xFFFF9C00  }
0x32: {  	[tilespmem:s23], [sflag:$0x3] =	stream.indirect.gather @!p0 [hbm4b:s2+s22], $0x80, s8, s22, $0xb8;
	[tilespmem:$0x13100] =	vst v63  }
0x33: {  	_ =	swait.ge [sflag:s14], $0x6400  }
0x34: {  	[sflag:s14] =	ssyncset.done $0x0  }
0x35: {  	s24 =	sadd.s32 $0x2580, s28;
	[sflag:s14] =	ssyncadd.s32 $0xFFFF9C00  }
0x36: {  	[hbm4b:s24+s3] =	stream.linear.scatter [tilespmem:s10], [sflag:$0x1], $0x6400, $0x38;
	[tilespmem:$0x13100] =	vst v63  }
0x37: {  	_ =	swait.ge [sflag:s17], $0x6400  }
0x38: {  	s1 =	ssub.s32 $0x2, s1;
	[sflag:s17] =	ssyncset.done $0x0  }
0x39: {  	s25 =	sadd.s32 $0x3200, s28;
	s26 =	simm.s32 @!p0 $0x3;
	[sflag:s17] =	ssyncadd.s32 $0xFFFF9C00  }
0x3a: {  	[hbm4b:s25+s3] =	stream.linear.scatter [tilespmem:s11], [sflag:$0x2], $0x6400, $0x38;
	[tilespmem:$0x13100] =	vst v63  }
0x3b: {  	s31 =	sshrl.u32 s1, $0x1;
	_ =	swait.ge @!p0 [sflag:s26], $0x6400  }
0x3c: {  	s29 =	simm.s32 @!p0 $0x1;
	s1 =	ssub.s32 s1, s31;
	[sflag:s26] =	ssyncset.done @!p0 $0x0  }
0x3d: {  	s1 =	smax.u32 s1, $0x1;
	s28 =	sadd.s32 $0x3E80, s28;
	[sflag:s26] =	ssyncadd.s32 @!p0 $0xFFFF9C00  }
0x3e: {  	[hbm4b:s28+s7] =	stream.linear.scatter @!p0 [tilespmem:s23], [sflag:$0x3], $0x6400, $0x38;
	[tilespmem:$0x13100] =	vst v63  }
0x3f: {  	s1 =	sadd.s32 $0xFFFFFFFF, s1;
	_ =	swait.ge @!p0 [sflag:s29], $0x6400  }
0x40: {  	s30 =	simm.s32 @!p0 $0x2;
	p1 =	sne.s32 s1, $0x0;
	[sflag:s29] =	ssyncset.done @!p0 $0x0  }
.Ltmp0:
0x41: {  	s30 =	simm.s32 @p0 $0x1;
	[sflag:s29] =	ssyncadd.s32 @!p0 $0xFFFF9C00;
	(pc) =	sbr.rel @!p1 .LBB2_2-.Ltmp0, $4  }
0x42: {  	_ =	swait.ge [sflag:s30], $0x6400  }
0x43: {  	s31 =	simm.s32 @!p0 $0x3;
	[sflag:s30] =	ssyncset.done $0x0  }
0x44: {  	s31 =	simm.s32 @p0 $0x2;
	[sflag:s30] =	ssyncadd.s32 $0xFFFF9C00  }
0x45: {  	_ =	swait.ge [sflag:s31], $0x6400  }
.LBB2_1:
0x46: {  	[sflag:s31] =	ssyncset.done $0x0  }
0x47: {  	s0 =	rddreg [dreg:$0x3];
	[sflag:s31] =	ssyncadd.s32 $0xFFFF9C00  }
0x48: {  	[tilespmem:s3], [sflag:$0x5] =	stream.linear.gather [hbm4b:s0+s3], $0x3E8, $0x38;
	[tilespmem:$0x13100] =	vst v63  }
0x49: {  	_ =	swait.ge [sflag:s4], $0x3E8  }
0x4a: {  	[sflag:s4] =	ssyncset.done $0x0  }
0x4b: {  	[sflag:s4] =	ssyncadd.s32 $0xFFFFFC18  }
0x4c: {  	[tilespmem:s8], [sflag:$0x4] =	stream.linear.gather @!p0 [hbm4b:s5+s7], $0xC8, $0x38;
	[tilespmem:$0x13100] =	vst v63  }
0x4d: {  	_ =	swait.ge @!p0 [sflag:s6], $0xC8  }
0x4e: {  	[sflag:s6] =	ssyncset.done @!p0 $0x0  }
0x4f: {  	[sflag:s6] =	ssyncadd.s32 @!p0 $0xFFFFFF38  }
0x50: {  	[tilespmem:s10], [sflag:$0x1] =	stream.indirect.gather [hbm4b:s2+s9], $0x80, s3, s9, $0xb8;
	[tilespmem:$0x13100] =	vst v63  }
0x51: {  	_ = 	snop  }
0x52: {  	[tilespmem:s11], [sflag:$0x2] =	stream.indirect.gather [hbm4b:s2+s9], $0x80, s9, s9, $0xb8;
	[tilespmem:$0x13100] =	vst v63  }
0x53: {  	_ = 	snop  }
0x54: {  	[tilespmem:s13], [sflag:$0x3] =	stream.indirect.gather [hbm4b:s2+s9], $0x80, s12, s9, $0xb8;
	[tilespmem:$0x13100] =	vst v63  }
0x55: {  	_ =	swait.ge [sflag:s14], $0x6400  }
0x56: {  	[sflag:s14] =	ssyncset.done $0x0  }
0x57: {  	[sflag:s14] =	ssyncadd.s32 $0xFFFF9C00  }
0x58: {  	[hbm4b:s15+s3] =	stream.linear.scatter [tilespmem:s10], [sflag:$0x1], $0x6400, $0x38;
	[tilespmem:$0x13100] =	vst v63  }
0x59: {  	_ =	swait.ge [sflag:s14], $0x6400  }
0x5a: {  	[sflag:s14] =	ssyncset.done $0x0  }
0x5b: {  	[sflag:s14] =	ssyncadd.s32 $0xFFFF9C00  }
0x5c: {  	[tilespmem:s10], [sflag:$0x1] =	stream.indirect.gather [hbm4b:s2+s9], $0x80, s16, s9, $0xb8;
	[tilespmem:$0x13100] =	vst v63  }
0x5d: {  	_ =	swait.ge [sflag:s17], $0x6400  }
0x5e: {  	[sflag:s17] =	ssyncset.done $0x0  }
0x5f: {  	[sflag:s17] =	ssyncadd.s32 $0xFFFF9C00  }
0x60: {  	[hbm4b:s18+s3] =	stream.linear.scatter [tilespmem:s11], [sflag:$0x2], $0x6400, $0x38;
	[tilespmem:$0x13100] =	vst v63  }
0x61: {  	_ =	swait.ge [sflag:s17], $0x6400  }
0x62: {  	[sflag:s17] =	ssyncset.done $0x0  }
0x63: {  	[sflag:s17] =	ssyncadd.s32 $0xFFFF9C00  }
0x64: {  	[tilespmem:s11], [sflag:$0x2] =	stream.indirect.gather [hbm4b:s2+s9], $0x80, s19, s9, $0xb8;
	[tilespmem:$0x13100] =	vst v63  }
0x65: {  	_ =	swait.ge [sflag:s20], $0x6400  }
0x66: {  	[sflag:s20] =	ssyncset.done $0x0  }
0x67: {  	[sflag:s20] =	ssyncadd.s32 $0xFFFF9C00  }
0x68: {  	[hbm4b:s21+s3] =	stream.linear.scatter [tilespmem:s13], [sflag:$0x3], $0x6400, $0x38;
	[tilespmem:$0x13100] =	vst v63  }
0x69: {  	_ =	swait.ge [sflag:s20], $0x6400  }
0x6a: {  	[sflag:s20] =	ssyncset.done $0x0  }
0x6b: {  	[sflag:s20] =	ssyncadd.s32 $0xFFFF9C00  }
0x6c: {  	[tilespmem:s23], [sflag:$0x3] =	stream.indirect.gather @!p0 [hbm4b:s2+s22], $0x80, s8, s22, $0xb8;
	[tilespmem:$0x13100] =	vst v63  }
0x6d: {  	_ =	swait.ge [sflag:s14], $0x6400  }
0x6e: {  	[sflag:s14] =	ssyncset.done $0x0  }
0x6f: {  	[sflag:s14] =	ssyncadd.s32 $0xFFFF9C00  }
0x70: {  	[hbm4b:s24+s3] =	stream.linear.scatter [tilespmem:s10], [sflag:$0x1], $0x6400, $0x38;
	[tilespmem:$0x13100] =	vst v63  }
0x71: {  	_ =	swait.ge [sflag:s17], $0x6400  }
0x72: {  	[sflag:s17] =	ssyncset.done $0x0  }
0x73: {  	[sflag:s17] =	ssyncadd.s32 $0xFFFF9C00  }
0x74: {  	[hbm4b:s25+s3] =	stream.linear.scatter [tilespmem:s11], [sflag:$0x2], $0x6400, $0x38;
	[tilespmem:$0x13100] =	vst v63  }
0x75: {  	_ =	swait.ge @!p0 [sflag:s26], $0x6400  }
0x76: {  	[sflag:s26] =	ssyncset.done @!p0 $0x0  }
0x77: {  	[sflag:s26] =	ssyncadd.s32 @!p0 $0xFFFF9C00  }
0x78: {  	[hbm4b:s28+s7] =	stream.linear.scatter @!p0 [tilespmem:s23], [sflag:$0x3], $0x6400, $0x38;
	[tilespmem:$0x13100] =	vst v63  }
0x79: {  	s1 =	sadd.s32 $0xFFFFFFFF, s1;
	_ =	swait.ge @!p0 [sflag:s29], $0x6400  }
0x7a: {  	p1 =	sne.s32 s1, $0x0;
	[sflag:s29] =	ssyncset.done @!p0 $0x0  }
.Ltmp1:
0x7b: {  	[sflag:s29] =	ssyncadd.s32 @!p0 $0xFFFF9C00;
	(pc) =	sbr.rel @p1 .LBB2_1-.Ltmp1, $4  }
0x7c: {  	_ =	swait.ge [sflag:s30], $0x6400  }
0x7d: {  	[sflag:s30] =	ssyncset.done $0x0  }
0x7e: {  	[sflag:s30] =	ssyncadd.s32 $0xFFFF9C00  }
0x7f: {  	_ =	swait.ge [sflag:s31], $0x6400  }
.LBB2_2:
0x80: {  	[sflag:s31] =	ssyncset.done $0x0  }
0x81: {  	[sflag:s31] =	ssyncadd.s32 $0xFFFF9C00  }
0x82: {  	_ =	sfence.sel $0x180000  }
0x83: {  	[bflag:$0x0] =	sbarrier.arrive $0xFFFF  }
0x84: {  	_ =	strace $0x9000004D  }
0x85: {  	s0 =	stileid.u32;
	[bflag:$0x2] =	sbarrier.arrive $0xFFFF  }
0x86: {  	p0 =	sne.s32 s0, $0x0;
	s0 =	rddreg [dreg:$0x2]  }
0x87: {  	s0 =	sadd.s32 @!p0 $0x100000, s0  }
0x88: {  	[sflag:s0] =	ssyncadd.tile.s32 @!p0 $0x1;
	_ =	shalt  }
.Lfunc_end2:
_tile_overlayer_lowered:
.L_overlay_start_2:
0x89: {  	(tag) =	ssettag $0x2  }
0x8a: {  	s0 =	rddreg [dreg:$0x0];
	s2 =	stileid.u32  }
0x8b: {  	s1 =	rddreg [dreg:$0x1];
	p0 =	sne.s32 s2, $0x0  }
0x8c: {  	s3 =	rddreg [dreg:$0x2];
	[bflag:$0x3] =	sbarrier.arrive $0xFFFF;
	s2 =	simm.s32 @!p0 $0x1C05  }
0x8d: {  	[timem:s3], [sflag:s2] =	dma.local @!p0 [hbm:s0], s1  }
0x8e: {  	s0 =	simm.s32 @!p0 $0x5  }
0x8f: {  	_ =	swait.ge @!p0 [sflag:s0], s1  }
0x90: {  	s1 =	ssub.s32 @!p0 $0x0, s1;
	[sflag:s0] =	ssyncset.done @!p0 $0x0  }
0x91: {  	[sflag:s0] =	ssyncadd.s32 @!p0 s1  }
0x92: {  	[bflag:$0x3] =	sbarrier.arrive $0xFFFF  }
0x93: {  	_ =	shalt  }

// kernel: kernel.8.cloned.1.call-start
scs
__scs_entry_jumppad:
0x0: {  	(pc) =	sbr.rel $0x88, $3  }
0x1: {  	(tag) =	ssettag $0x0;
	lr =	simm.s32 $0x1  }
0x2: {  	[smem:$0x3F9D] =	sst lr;
	_ =	strace $0xD0000000  }
0x3: {  	_ = 	snop  }
0x4: {  	_ = 	snop  }
0x5: {  	_ = 	snop  }
0x6: {  	_ = 	snop  }
0x7: {  	_ = 	snop  }
__scs_overlays_trampoline_lowered:
0x8: {  	[smem:$0x3FAC] =	sst s0  }
0x9: {  	[smem:$0x3FAD] =	sst s1  }
0xa: {  	[smem:$0x3FAE] =	sst s2  }
0xb: {  	[smem:$0x3FAF] =	sst s3  }
0xc: {  	[smem:$0x3FB0] =	sst s4  }
0xd: {  	[smem:$0x3FB1] =	sst s5  }
0xe: {  	[smem:$0x3FB2] =	sst s6  }
0xf: {  	[smem:$0x3FB3] =	sst s7  }
0x10: {  	[smem:$0x3FB4] =	sst s8  }
0x11: {  	[smem:$0x3FB5] =	sst s9;
	s0 =	simm.s32 @!p0 $0x0  }
0x12: {  	s1 =	sld [smem:$0x3F9B];
	s0 =	simm.s32 @p0 $0x1  }
0x13: {  	[smem:$0x3FB6] =	sst s0;
	s0 =	simm.s32 @!p1 $0x0  }
0x14: {  	s2 =	sld [smem:$0x3F9A];
	s0 =	simm.s32 @p1 $0x1  }
0x15: {  	[smem:$0x3FB7] =	sst s0;
	s0 =	simm.s32 @!p2 $0x0  }
0x16: {  	s3 =	sld [smem:$0x3FDB];
	s0 =	simm.s32 @p2 $0x1  }
0x17: {  	s4 =	simm.s32 $0x1BF5;
	[smem:$0x3FB9] =	sst s0  }
0x18: {  	s0 =	sld [smem:$0x3F9C];
	_ =	swait.ge [sflag:s4], $0x0  }
0x19: {  	s7 =	sld [smem:$0x3F9D]  }
0x1a: {  	s8 =	sadd.s32 $0xFFFFE003, lr  }
0x1b: {  	s9 =	sadd.s32 $0xFFFFFEF7, lr;
	s5 =	simm.s32 $0xFFFFFFFF;
	p2 =	slt.u32 s8, $0xFFFFF086  }
0x1c: {  	p1 =	slt.u32 s9, $0xF7A;
	s5 =	simm.s32 @!p2 $0x0  }
0x1d: {  	s5 =	simm.s32 @p1 $0x1;
	p0 =	seq.s32 s7, s2  }
0x1e: {  	s7 =	smul.u32 @!p0 $0xF7A, s2;
	p2 =	seq.s32 @!p0 s5, $0x0  }
0x1f: {  	s9 =	smul.u32 $0xF7A, s1;
	s8 =	simm.s32 @!p0 $0x1BF5;
	p2 =	por !p2, p0  }
0x20: {  	[sflag:s8] =	ssyncset.s32 @!p0 $0xFFFFF086;
	s6 =	sadd.s32 @!p0 s3, s7;
	s7 =	simm.s32 @!p0 $0x108  }
0x21: {  	s3 =	sadd.s32 s3, s9;
	s6 =	sadd.s32 @!p0 $0x88, s6;
	s7 =	simm.s32 @p2 $0x1082  }
0x22: {  	[simem:s7], [sflag:s8] =	dma.local @!p0 [hbm:s6], $0xF7A  }
0x23: {  	s9 =	sor.u32 $0xD0000000, s2;
	s6 =	simm.s32 $0x108;
	_ =	swait.ge @!p0 [sflag:s8], $0x0  }
0x24: {  	s3 =	sadd.s32 $0x88, s3;
	s6 =	simm.s32 @!p1 $0x1082;
	[sflag:s4] =	ssyncset.s32 $0xFFFFF086  }
0x25: {  	[simem:s6], [sflag:s4] =	dma.local [hbm:s3], $0xF7A  }
0x26: {  	[smem:$0x3F9D] =	sst s1;
	(tag) =	ssettag s2;
	_ =	strace s9  }
0x27: {  	s1 =	sld [smem:$0x3FAD]  }
0x28: {  	s2 =	sld [smem:$0x3FAE]  }
0x29: {  	s4 =	sld [smem:$0x3FB0]  }
0x2a: {  	p0 =	seq.s32 s5, $0x0;
	s5 =	sld [smem:$0x3FB1]  }
0x2b: {  	s6 =	sld [smem:$0x3FB2]  }
0x2c: {  	s7 =	sld [smem:$0x3FB3]  }
0x2d: {  	s3 =	simm.s32 $0x108;
	s8 =	sld [smem:$0x3FB4]  }
0x2e: {  	s3 =	simm.s32 @!p0 $0x1082;
	s9 =	sld [smem:$0x3FB5]  }
0x2f: {  	lr =	sadd.s32 s0, s3;
	s0 =	sld [smem:$0x3FAC]  }
0x30: {  	s3 =	sld [smem:$0x3FAF]  }
0x31: {  	[smem:$0x3FB8] =	sst s10  }
0x32: {  	s10 =	sld [smem:$0x3FB6];
	_ =	sdelay $0x3  }
0x33: {  	p0 =	seq.s32 s10, $0x1;
	s10 =	sld [smem:$0x3FB8];
	_ =	sdelay $0x3  }
0x34: {  	[smem:$0x3FB8] =	sst s10  }
0x35: {  	s10 =	sld [smem:$0x3FB7];
	_ =	sdelay $0x3  }
0x36: {  	p1 =	seq.s32 s10, $0x1;
	s10 =	sld [smem:$0x3FB8];
	_ =	sdelay $0x3  }
0x37: {  	[smem:$0x3FB8] =	sst s10  }
0x38: {  	s10 =	sld [smem:$0x3FB9]  }
0x39: {  	_ = 	snop;
	(pc) =	sbr.ind lr, $3  }
0x3a: {  	_ = 	snop  }
0x3b: {  	_ = 	snop  }
0x3c: {  	p2 =	seq.s32 s10, $0x1;
	s10 =	sld [smem:$0x3FB8]  }
0x3d: {  	_ =	shalt  }
0x3e: {  	_ =	shalt  }
0x3f: {  	_ =	shalt  }
0x40: {  	_ =	shalt  }
0x41: {  	_ =	shalt  }
0x42: {  	_ =	shalt  }
0x43: {  	_ =	shalt  }
0x44: {  	_ =	shalt  }
0x45: {  	_ =	shalt  }
0x46: {  	_ =	shalt  }
0x47: {  	_ =	shalt  }
0x48: {  	_ =	shalt  }
0x49: {  	_ =	shalt  }
0x4a: {  	_ =	shalt  }
0x4b: {  	_ =	shalt  }
0x4c: {  	_ =	shalt  }
0x4d: {  	_ =	shalt  }
0x4e: {  	_ =	shalt  }
0x4f: {  	_ =	shalt  }
0x50: {  	_ =	shalt  }
0x51: {  	_ =	shalt  }
0x52: {  	_ =	shalt  }
0x53: {  	_ =	shalt  }
0x54: {  	_ =	shalt  }
0x55: {  	_ =	shalt  }
0x56: {  	_ =	shalt  }
0x57: {  	_ =	shalt  }
0x58: {  	_ =	shalt  }
0x59: {  	_ =	shalt  }
0x5a: {  	_ =	shalt  }
0x5b: {  	_ =	shalt  }
0x5c: {  	_ =	shalt  }
0x5d: {  	_ =	shalt  }
0x5e: {  	_ =	shalt  }
0x5f: {  	_ =	shalt  }
0x60: {  	_ =	shalt  }
0x61: {  	_ =	shalt  }
0x62: {  	_ =	shalt  }
0x63: {  	_ =	shalt  }
0x64: {  	_ =	shalt  }
0x65: {  	_ =	shalt  }
0x66: {  	_ =	shalt  }
0x67: {  	_ =	shalt  }
0x68: {  	_ =	shalt  }
0x69: {  	_ =	shalt  }
0x6a: {  	_ =	shalt  }
0x6b: {  	_ =	shalt  }
0x6c: {  	_ =	shalt  }
0x6d: {  	_ =	shalt  }
0x6e: {  	_ =	shalt  }
0x6f: {  	_ =	shalt  }
0x70: {  	_ =	shalt  }
0x71: {  	_ =	shalt  }
0x72: {  	_ =	shalt  }
0x73: {  	_ =	shalt  }
0x74: {  	_ =	shalt  }
0x75: {  	_ =	shalt  }
0x76: {  	_ =	shalt  }
0x77: {  	_ =	shalt  }
0x78: {  	_ =	shalt  }
0x79: {  	_ =	shalt  }
0x7a: {  	_ =	shalt  }
0x7b: {  	_ =	shalt  }
0x7c: {  	_ =	shalt  }
0x7d: {  	_ =	shalt  }
0x7e: {  	_ =	shalt  }
0x7f: {  	_ =	shalt  }
0x80: {  	_ =	shalt  }
0x81: {  	_ =	shalt  }
0x82: {  	_ =	shalt  }
0x83: {  	_ =	shalt  }
0x84: {  	_ =	shalt  }
0x85: {  	_ =	shalt  }
0x86: {  	_ =	shalt  }
0x87: {  	_ =	shalt  }
.Lfunc_end0:
.L_simem_size_0:
called_computation_lowered:
.L_overlay_start_0:
0x88: {  	s2 =	sld [smem:$0x3FD9]  }
0x89: {  	s3 =	sld [smem:$0x3FFE];
	_ =	sdelay $0x1  }
0x8a: {  	s1 =	srdreg.scid  }
0x8b: {  	s0 =	sand.u32 $0x1, s1  }
0x8c: {  	s17 =	sshll.u32 s0, $0xA;
	s2 =	sadd.s32 s3, s2  }
0x8d: {  	s2 =	sadd.s32 s2, s17  }
0x8e: {  	[smem:$0x3FC4] =	sst s2  }
0x8f: {  	_ = 	snop  }
0x90: {  	s2 =	sld [smem:$0x3FC8]  }
0x91: {  	s18 =	sld [smem:$0x3FD0];
	(tm) =	ssettm $0x1  }
0x92: {  	s4 =	sld [smem:$0x3FFB];
	_ =	sdelay $0x3  }
0x93: {  	_ =	strace s4  }
0x94: {  	s4 =	sld [smem:$0x3FFC];
	_ =	sdelay $0x3  }
0x95: {  	_ =	strace s4  }
0x96: {  	s4 =	sld [smem:$0x3FFD];
	_ =	sdelay $0x3  }
0x97: {  	_ =	strace s4  }
0x98: {  	_ =	strace $0x8FFFFFFF  }
0x99: {  	s19 =	sld [smem:$0x3FDB];
	_ =	sdelay $0x1  }
0x9a: {  	s5 =	simm.s32 $_scs_section_size  }
0x9b: {  	s6 =	simm.s32 $_size__tile_overlayer_lowered;
	s7 =	simm.s32 $_tile_overlayer_lowered  }
0x9c: {  	s22 =	simm.s32 $0x1BFF;
	s21 =	sshll.u32 s7, $0x1;
	s4 =	sadd.s32 s5, s19  }
0x9d: {  	s8 =	simm.s32 $0x0;
	s20 =	sshll.u32 s6, $0x1;
	s6 =	sadd.s32 s21, s4  }
0x9e: {  	[timem:s8], [sflag:s22] =	dma.local [hbm:s6], s20  }
0x9f: {  	_ =	swait.ge [sflag:s22], s20  }
0xa0: {  	s5 =	ssub.s32 $0x0, s20;
	[sflag:s22] =	ssyncset.done $0x0  }
0xa1: {  	[sflag:s22] =	ssyncadd.s32 s5;
	_ =	sdelay $0x1  }
0xa2: {  	s23 =	simm.s32 $0x1B8B  }
0xa3: {  	_ =	swait.ge [sflag:s23], $0x1  }
0xa4: {  	[sflag:s23] =	ssyncset.done $0x0  }
0xa5: {  	s25 =	simm.s32 $0x1B8E;
	s24 =	sld [smem:$0x3FFE];
	[sflag:s23] =	ssyncadd.s32 $0xFFFFFFFF  }
0xa6: {  	s26 =	simm.s32 $execute0_lowered;
	[smem:$0x3FD2] =	sst s25  }
0xa7: {  	s6 =	sshll.u32 s26, $0x1;
	_ =	strace $0x80000046;
	[dreg:$0x1] =	wrdreg $0xFFFFFFFF  }
0xa8: {  	s28 =	simm.s32 $_size_execute0_lowered;
	s4 =	sadd.s32 s4, s6;
	[dreg:$0x0] =	wrdreg $0x0  }
0xa9: {  	s6 =	sshll.u32 s28, $0x1;
	[dreg:$0x2] =	wrdreg s4  }
0xaa: {  	[dreg:$0x3] =	wrdreg s6  }
0xab: {  	[dreg:$0x4] =	wrdreg $0xC0  }
0xac: {  	_ =	task [dreg:s8], $0x5FFFF  }
0xad: {  	[dreg:$0x1] =	wrdreg $0xFFFFFFFF  }
0xae: {  	[dreg:$0x0] =	wrdreg $0x60  }
0xaf: {  	[dreg:$0x2] =	wrdreg s24  }
0xb0: {  	[dreg:$0x3] =	wrdreg s2  }
0xb1: {  	[dreg:$0x4] =	wrdreg s18  }
0xb2: {  	[dreg:$0x5] =	wrdreg $0x9  }
0xb3: {  	_ =	task.clear_ibuf [dreg:s8], $0x6FFFF;
	_ =	strace $0x90000046  }
0xb4: {  	s29 =	simm.s32 $0x9;
	_ =	strace $0x80000048  }
0xb5: {  	_ =	swait.ge [sflag:s29], $0x1  }
0xb6: {  	[sflag:s29] =	ssyncadd.s32 $0xFFFFFFFF  }
0xb7: {  	_ =	strace $0x90000048  }
0xb8: {  	_ =	sfence  }
0xb9: {  	s30 =	sld [smem:$0x0];
	_ =	sdelay $0x2  }
0xba: {  	s31 =	sshll.u32 s1, $0xD;
	s1 =	sshrl.u32 s1, $0x2  }
0xbb: {  	s3 =	sand.u32 $0x4000, s31;
	s1 =	sadd.s32 s1, s30  }
0xbc: {  	s0 =	sor.u32 s3, s0;
	s1 =	sshll.u32 s1, $0x11  }
0xbd: {  	s0 =	sor.u32 s1, s0  }
0xbe: {  	s0 =	sadd.s32 $0x8F2B, s0  }
0xbf: {  	[sflag:s0] =	ssyncadd.remote.s32 $0x1  }
0xc0: {  	_ =	sfence.sel $0xFFFF  }
0xc1: {  	[dreg:$0x0] =	wrdreg $0xFFFFFFFF;
	(pc) =	sbr.abs _section_cstart, $3  }
0xc2: {  	[dreg:$0x1] =	wrdreg $0xFFFFFFFF  }
0xc3: {  	_ =	task.clear_ibuf [dreg:s8], $0x2FFFF;
	_ =	strace $0x9FFFFFFF  }
0xc4: {  	(tm) =	ssettm $0x7FFFFFFF  }
0xc5: {  	_ =	shalt  }
tec
execute0_lowered:
.L_overlay_start_1:
0x0: {  	(tag) =	ssettag $0x1  }
0x1: {  	s1 =	srdreg.scid  }
0x2: {  	s0 =	stileid.u32;
	s12 =	sand.u32 $0x1, s1  }
0x3: {  	s4 =	rddreg [dreg:$0x0];
	s29 =	sshll.u32 s0, $0x2;
	s3 =	sshll.u32 s12, $0x1  }
0x4: {  	s2 =	rddreg [dreg:$0x1];
	s11 =	sor.u32 s3, s29  }
0x5: {  	s13 =	rddreg [dreg:$0x2];
	s5 =	smul.u32 $0x19, s11  }
0x6: {  	s1 =	rddreg [dreg:$0x3];
	s3 =	simm.s32 $0x0  }
0x7: {  	[smem:$0x7FF] =	sst s3;
	s4 =	sadd.s32 s5, s4  }
0x8: {  	_ =	strace $0x80000047;
	s5 =	simm.s32 $0x3;
	s4 =	sadd.s32 $0x1A00, s4  }
0x9: {  	[tilespmem:s3], [sflag:$0x3] =	stream.linear.gather [hbm4b:s4+s3], $0x190, $0x38;
	[tilespmem:$0xCA00] =	vst v63  }
0xa: {  	_ =	swait.ge [sflag:s5], $0x190  }
0xb: {  	s6 =	simm.s32 $0xC8;
	[sflag:s5] =	ssyncset.done $0x0  }
0xc: {  	s7 =	simm.s32 $0x200;
	s8 =	simm.s32 $0x6600;
	[sflag:s5] =	ssyncadd.s32 $0xFFFFFE70  }
0xd: {  	[tilespmem:s7], [sflag:$0x1] =	stream.indirect.gather [hbm4b:s2+s6], $0x80, s3, s6, $0xb8;
	[tilespmem:$0xCA00] =	vst v63  }
0xe: {  	s9 =	simm.s32 $0x1;
	s30 =	ssub.s32 $0x2, s12;
	s14 =	smul.u32 $0x6400, s11  }
0xf: {  	[tilespmem:s8], [sflag:$0x2] =	stream.indirect.gather [hbm4b:s2+s6], $0x80, s6, s6, $0xb8;
	[tilespmem:$0xCA00] =	vst v63  }
0x10: {  	s31 =	sshrl.u32 s30, $0x1;
	s10 =	smul.u32 $0xC80, s11;
	_ =	swait.ge [sflag:s9], $0x6400  }
0x11: {  	s11 =	simm.s32 $0x2;
	s14 =	sshrl.u32 s14, $0x3;
	[sflag:s9] =	ssyncset.done $0x0  }
0x12: {  	s10 =	sadd.s32 s13, s10;
	s13 =	sadd.s32 s13, s14;
	[sflag:s9] =	ssyncadd.s32 $0xFFFF9C00  }
0x13: {  	[hbm4b:s10+s3] =	stream.linear.scatter [tilespmem:s7], [sflag:$0x1], $0x6400, $0x38;
	[tilespmem:$0xCA00] =	vst v63  }
0x14: {  	s12 =	sadd.s32 $0xC80, s13;
	s13 =	ssub.s32 s30, s31;
	_ =	swait.ge [sflag:s11], $0x6400  }
0x15: {  	s13 =	smax.u32 s13, $0x1;
	[sflag:s11] =	ssyncset.done $0x0  }
0x16: {  	p0 =	sne.s32 s13, $0x1;
	[sflag:s11] =	ssyncadd.s32 $0xFFFF9C00  }
0x17: {  	[hbm4b:s12+s3] =	stream.linear.scatter [tilespmem:s8], [sflag:$0x2], $0x6400, $0x38;
	[tilespmem:$0xCA00] =	vst v63  }
.Ltmp0:
0x18: {  	_ =	swait.ge [sflag:s9], $0x6400;
	(pc) =	sbr.rel @!p0 .LBB2_2-.Ltmp0, $4  }
0x19: {  	[sflag:s9] =	ssyncset.done $0x0  }
0x1a: {  	[sflag:s9] =	ssyncadd.s32 $0xFFFF9C00  }
0x1b: {  	_ =	swait.ge [sflag:s11], $0x6400  }
0x1c: {  	s13 =	sadd.s32 $0xFFFFFFFF, s13;
	[sflag:s11] =	ssyncset.done $0x0  }
.LBB2_1:
0x1d: {  	p0 =	sne.s32 s13, $0x1;
	s13 =	sadd.s32 $0xFFFFFFFF, s13;
	[sflag:s11] =	ssyncadd.s32 $0xFFFF9C00  }
0x1e: {  	[tilespmem:s3], [sflag:$0x3] =	stream.linear.gather [hbm4b:s4+s3], $0x190, $0x38;
	[tilespmem:$0xCA00] =	vst v63  }
0x1f: {  	_ =	swait.ge [sflag:s5], $0x190  }
0x20: {  	[sflag:s5] =	ssyncset.done $0x0  }
0x21: {  	[sflag:s5] =	ssyncadd.s32 $0xFFFFFE70  }
0x22: {  	[tilespmem:s7], [sflag:$0x1] =	stream.indirect.gather [hbm4b:s2+s6], $0x80, s3, s6, $0xb8;
	[tilespmem:$0xCA00] =	vst v63  }
0x23: {  	_ = 	snop  }
0x24: {  	[tilespmem:s8], [sflag:$0x2] =	stream.indirect.gather [hbm4b:s2+s6], $0x80, s6, s6, $0xb8;
	[tilespmem:$0xCA00] =	vst v63  }
0x25: {  	_ =	swait.ge [sflag:s9], $0x6400  }
0x26: {  	[sflag:s9] =	ssyncset.done $0x0  }
0x27: {  	[sflag:s9] =	ssyncadd.s32 $0xFFFF9C00  }
0x28: {  	[hbm4b:s10+s3] =	stream.linear.scatter [tilespmem:s7], [sflag:$0x1], $0x6400, $0x38;
	[tilespmem:$0xCA00] =	vst v63  }
0x29: {  	_ =	swait.ge [sflag:s11], $0x6400  }
0x2a: {  	[sflag:s11] =	ssyncset.done $0x0  }
0x2b: {  	[sflag:s11] =	ssyncadd.s32 $0xFFFF9C00  }
0x2c: {  	[hbm4b:s12+s3] =	stream.linear.scatter [tilespmem:s8], [sflag:$0x2], $0x6400, $0x38;
	[tilespmem:$0xCA00] =	vst v63  }
.Ltmp1:
0x2d: {  	_ =	swait.ge [sflag:s9], $0x6400;
	(pc) =	sbr.rel @p0 .LBB2_1-.Ltmp1, $4  }
0x2e: {  	[sflag:s9] =	ssyncset.done $0x0  }
0x2f: {  	[sflag:s9] =	ssyncadd.s32 $0xFFFF9C00  }
0x30: {  	_ =	swait.ge [sflag:s11], $0x6400  }
0x31: {  	[sflag:s11] =	ssyncset.done $0x0  }
.LBB2_2:
0x32: {  	[sflag:s11] =	ssyncadd.s32 $0xFFFF9C00  }
0x33: {  	_ =	sfence.sel $0x180000  }
0x34: {  	[bflag:$0x0] =	sbarrier.arrive $0xFFFF  }
0x35: {  	p0 =	sne.s32 s0, $0x0;
	_ =	strace $0x90000047  }
0x36: {  	s0 =	sadd.s32 @!p0 $0x100000, s1;
	[bflag:$0x2] =	sbarrier.arrive $0xFFFF  }
0x37: {  	[sflag:s0] =	ssyncadd.tile.s32 @!p0 $0x1;
	_ =	shalt  }
.Lfunc_end2:
_tile_overlayer_lowered:
.L_overlay_start_2:
0x38: {  	(tag) =	ssettag $0x2  }
0x39: {  	s0 =	rddreg [dreg:$0x0];
	s2 =	stileid.u32  }
0x3a: {  	s1 =	rddreg [dreg:$0x1];
	p0 =	sne.s32 s2, $0x0  }
0x3b: {  	s3 =	rddreg [dreg:$0x2];
	[bflag:$0x3] =	sbarrier.arrive $0xFFFF;
	s2 =	simm.s32 @!p0 $0x1C03  }
0x3c: {  	[timem:s3], [sflag:s2] =	dma.local @!p0 [hbm:s0], s1  }
0x3d: {  	s0 =	simm.s32 @!p0 $0x3  }
0x3e: {  	_ =	swait.ge @!p0 [sflag:s0], s1  }
0x3f: {  	s1 =	ssub.s32 @!p0 $0x0, s1;
	[sflag:s0] =	ssyncset.done @!p0 $0x0  }
0x40: {  	[sflag:s0] =	ssyncadd.s32 @!p0 s1  }
0x41: {  	[bflag:$0x3] =	sbarrier.arrive $0xFFFF  }
0x42: {  	_ =	shalt  }

</sc_bundles>
